<compile_context>
chip_gen: v7x
topology: tpu7x:2x2x1
jax: 0.10.2.dev20260603
libtpu: 0.0.44.dev20260713+nightly
codegen_flags: <defaults>
</compile_context>

<pallas_src>
import dataclasses

import jax
import jax.numpy as jnp
from jax import lax
from jax.experimental import pallas as pl
from jax.experimental.pallas import tpu as pltpu
from jax.experimental.pallas import tpu_sc as plsc

_W = 512
_LANES = 16


def kernel(indices, embedding):
    B, S = indices.shape
    V, H = embedding.shape
    N = B * S
    rows_per_super = 128 // H
    table128 = embedding.reshape(V // rows_per_super, 128)
    flat_idx = indices.reshape(1, N)
    hi = lax.shift_right_logical(flat_idx, 3)
    lo_col = lax.shift_left(flat_idx & 7, 4)
    mesh = plsc.VectorSubcoreMesh(core_axis_name="core", subcore_axis_name="subcore")
    cp = pltpu.CompilerParams()
    if "needs_layout_passes" in pltpu.CompilerParams.__dataclass_fields__:
        cp = dataclasses.replace(cp, needs_layout_passes=False)

    @pl.kernel(
        out_type=jax.ShapeDtypeStruct((N // 8, 128), embedding.dtype),
        mesh=mesh,
        scratch_types=[pltpu.VMEM((_W, 128), jnp.float32)],
        compiler_params=cp,
    )
    def _gather(table_hbm, hi_hbm, lo_hbm, out_hbm, buf128):
        def body(hi_vmem, lo_vmem, out_vmem):
            pltpu.sync_copy(table_hbm.at[hi_vmem.at[0]], buf128)
            iota = lax.iota(jnp.int32, _LANES)
            o_row_base = lax.shift_right_logical(iota, 3)
            o_col_base = lax.shift_left(iota & 7, 4)

            @pl.loop(0, _W // _LANES)
            def _(nb):
                n0 = nb * _LANES
                row_v = iota + n0
                lo_v = lo_vmem.at[0][pl.ds(n0, _LANES)]
                o_row = o_row_base + nb * 2
                for h in range(H):
                    val = plsc.load_gather(buf128, [row_v, lo_v + h])
                    plsc.store_scatter(out_vmem, [o_row, o_col_base + h], val)

        pltpu.emit_pipeline(
            body,
            grid=(N // _W,),
            in_specs=[
                pl.BlockSpec((1, _W), index_map=lambda i: (0, i)),
                pl.BlockSpec((1, _W), index_map=lambda i: (0, i)),
            ],
            out_specs=[pl.BlockSpec((_W // 8, 128), index_map=lambda i: (i, 0))],
            core_axis_name=("core", "subcore"),
            dimension_semantics=(pltpu.PARALLEL,),
        )(hi_hbm, lo_hbm, out_hbm)

    out = _gather(table128, hi, lo_col)
    return out.reshape(B, S, H)

# --- scband reference (transcript-rebuilt; emitter-appended) ---
"""Pipeline reference for scband-big-lmlinear-class-43301860278761 (READ-ONLY COPY).

The authoritative reference and input builder live on the scoring server;
editing this copy changes nothing except your own understanding.
"""

import jax, jax.numpy as jnp
import numpy as np

NUM_CHARS = 1000000
HIDDEN_SIZE = 16

def setup_inputs(seed: int = 0) -> dict:
    key = jax.random.key(seed)
    k1, k2 = jax.random.split(key)
    indices = jax.random.randint(k1, (16384, 200), 0, NUM_CHARS, dtype=jnp.int64 if jax.config.jax_enable_x64 else jnp.int32)
    embedding = jax.random.normal(k2, (NUM_CHARS, HIDDEN_SIZE), dtype=jnp.float32)
    return {"indices": indices, "embedding": embedding}

def reference(indices, embedding):
    # Faithful translation of BigLMLinearClass.forward: just the embedding lookup.
    # (lin_out_layer exists as a parameter but is unused in forward.)
    return jnp.take(embedding, indices, axis=0)

if __name__ == "__main__":
    import jax
    _d = setup_inputs()
    print(jax.jit(kernel)(*tuple(_d.values())))

</pallas_src>

<mosaic_0001>
#map = affine_map<(d0, d1) -> (0, 0)>
module attributes {stable_mosaic.version = 14 : i64} {
  func.func @_gather(%arg0: i32, %arg1: i32, %arg2: memref<125000x128xf32, #tpu.memory_space<hbm>>, %arg3: memref<1x3276800xi32, #tpu.memory_space<hbm>>, %arg4: memref<1x3276800xi32, #tpu.memory_space<hbm>>, %arg5: memref<409600x128xf32, #tpu.memory_space<hbm>>, %arg6: memref<512x128xf32, #tpu.memory_space<vmem>>) attributes {dimension_semantics = [#tpu.dimension_semantics<core_parallel>, #tpu.dimension_semantics<subcore_parallel>], iteration_bounds = array<i64: 2, 16>, scalar_prefetch = 0 : i64, scratch_operands = 1 : i64, tpu.core_type = #tpu.core_type<sc_vector_subcore>, window_params = [{transform_indices = #map}, {transform_indices = #map}, {transform_indices = #map}, {transform_indices = #map}]} {
    %mul3A = arith.constant 1 : i32
    %mul3A_0 = arith.muli %arg1, %mul3A : i32
    %add3A = arith.constant 0 : i32
    %add3A_1 = arith.addi %add3A, %mul3A_0 : i32
    %mul3A_2 = arith.constant 16 : i32
    %mul3A_3 = arith.muli %arg0, %mul3A_2 : i32
    %add3A_4 = arith.addi %add3A_1, %mul3A_3 : i32
    %mul3A_5 = arith.constant 200 : i32
    %mul3A_6 = arith.muli %add3A_4, %mul3A_5 : i32
    "tpu.region"() ({
      %run_scoped3A = memref.alloca() : memref<2x1x512xi32, #tpu.memory_space<vmem>>
      %run_scoped3A_7 = tpu.sem_alloc : memref<2x!tpu.dma_semaphore, #tpu.memory_space<semaphore_mem>>
      %run_scoped3A_8 = memref.alloca() : memref<2x1x512xi32, #tpu.memory_space<vmem>>
      %run_scoped3A_9 = tpu.sem_alloc : memref<2x!tpu.dma_semaphore, #tpu.memory_space<semaphore_mem>>
      %run_scoped3A_10 = memref.alloca() : memref<2x64x128xf32, #tpu.memory_space<vmem>>
      %run_scoped3A_11 = tpu.sem_alloc : memref<2x!tpu.dma_semaphore, #tpu.memory_space<semaphore_mem>>
      %add3A_12 = arith.constant 0 : i32
      %add3A_13 = arith.addi %add3A_12, %mul3A_6 : i32
      %select_n3A = arith.constant true
      %select_n3A_14 = arith.constant 0 : i32
      %select_n3A_15 = arith.constant -1 : i32
      %select_n3A_16 = arith.select %select_n3A, %select_n3A_15, %select_n3A_14 : i32
      %eq3A = arith.constant -1 : i32
      %eq3A_17 = arith.cmpi eq, %select_n3A_16, %eq3A : i32
      %select_n3A_18 = arith.constant 199 : i32
      %select_n3A_19 = arith.select %eq3A_17, %select_n3A_18, %select_n3A_16 : i32
      %add3A_20 = arith.addi %select_n3A_19, %mul3A_6 : i32
      %select_n3A_21 = arith.constant true
      %select_n3A_22 = arith.constant 0 : i32
      %select_n3A_23 = arith.constant 1 : i32
      %select_n3A_24 = arith.select %select_n3A_21, %select_n3A_23, %select_n3A_22 : i32
      %eq3A_25 = arith.constant 200 : i32
      %eq3A_26 = arith.cmpi eq, %select_n3A_24, %eq3A_25 : i32
      %select_n3A_27 = arith.constant 0 : i32
      %select_n3A_28 = arith.select %eq3A_26, %select_n3A_27, %select_n3A_24 : i32
      %add3A_29 = arith.addi %select_n3A_28, %mul3A_6 : i32
      %add3A_30 = arith.constant 1 : i32
      %add3A_31 = arith.addi %select_n3A_28, %add3A_30 : i32
      %select_n3A_32 = arith.constant true
      %select_n3A_33 = arith.select %select_n3A_32, %add3A_31, %select_n3A_28 : i32
      %eq3A_34 = arith.constant 200 : i32
      %eq3A_35 = arith.cmpi eq, %select_n3A_33, %eq3A_34 : i32
      %select_n3A_36 = arith.constant 0 : i32
      %select_n3A_37 = arith.select %eq3A_35, %select_n3A_36, %select_n3A_33 : i32
      %add3A_38 = arith.addi %select_n3A_37, %mul3A_6 : i32
      "tpu.trace_start"() <{level = 10 : i32, message = "ep_initialize_0"}> : () -> ()
      %rem3A = arith.constant 0 : i32
      %rem3A_39 = arith.constant 2 : i32
      %rem3A_40 = arith.remui %rem3A, %rem3A_39 : i32
      %mul3A_41 = arith.constant 512 : i32
      %mul3A_42 = arith.muli %mul3A_41, %add3A_13 : i32
      %dma_start3A = arith.constant 0 : i32
      %dma_start3A_43 = arith.constant 0 : i32
      %dma_start3A_44 = tpu.memref_slice %run_scoped3A[%rem3A_40, %dma_start3A, %dma_start3A_43] : memref<2x1x512xi32, #tpu.memory_space<vmem>> -> memref<1x1x512xi32, #tpu.memory_space<vmem>>
      %dma_start3A_45 = tpu.memref_squeeze %dma_start3A_44 : memref<1x1x512xi32, #tpu.memory_space<vmem>> -> memref<1x512xi32, #tpu.memory_space<vmem>>
      %dma_start3A_46 = arith.constant 0 : i32
      %dma_start3A_47 = tpu.memref_slice %arg3[%dma_start3A_46, %mul3A_42] : memref<1x3276800xi32, #tpu.memory_space<hbm>> -> memref<1x512xi32, #tpu.memory_space<hbm>>
      %dma_start3A_48 = tpu.memref_slice %run_scoped3A_7[%rem3A_40] : memref<2x!tpu.dma_semaphore, #tpu.memory_space<semaphore_mem>> -> memref<1x!tpu.dma_semaphore, #tpu.memory_space<semaphore_mem>>
      %dma_start3A_49 = tpu.memref_squeeze %dma_start3A_48 : memref<1x!tpu.dma_semaphore, #tpu.memory_space<semaphore_mem>> -> memref<!tpu.dma_semaphore, #tpu.memory_space<semaphore_mem>>
      %dma_start3A_50 = arith.constant 0 : i32
      %dma_start3A_51 = arith.constant 0 : i32
      %dma_start3A_52 = tpu.memref_slice %run_scoped3A[%rem3A_40, %dma_start3A_50, %dma_start3A_51] : memref<2x1x512xi32, #tpu.memory_space<vmem>> -> memref<1x1x512xi32, #tpu.memory_space<vmem>>
      %dma_start3A_53 = tpu.memref_squeeze %dma_start3A_52 : memref<1x1x512xi32, #tpu.memory_space<vmem>> -> memref<1x512xi32, #tpu.memory_space<vmem>>
      %dma_start3A_54 = arith.constant 0 : i32
      %dma_start3A_55 = tpu.memref_slice %arg3[%dma_start3A_54, %mul3A_42] : memref<1x3276800xi32, #tpu.memory_space<hbm>> -> memref<1x512xi32, #tpu.memory_space<hbm>>
      tpu.enqueue_dma source(%dma_start3A_55 : memref<1x512xi32, #tpu.memory_space<hbm>>) target(%dma_start3A_53 : memref<1x512xi32, #tpu.memory_space<vmem>>) target_semaphore(%dma_start3A_49 : memref<!tpu.dma_semaphore, #tpu.memory_space<semaphore_mem>>)
      %add3A_56 = arith.constant 0 : i32
      %add3A_57 = arith.constant 1 : i32
      %add3A_58 = arith.addi %add3A_56, %add3A_57 : i32
      %select_n3A_59 = arith.constant true
      %select_n3A_60 = arith.constant 0 : i32
      %select_n3A_61 = arith.select %select_n3A_59, %add3A_58, %select_n3A_60 : i32
      %rem3A_62 = arith.constant 0 : i32
      %rem3A_63 = arith.constant 2 : i32
      %rem3A_64 = arith.remui %rem3A_62, %rem3A_63 : i32
      %mul3A_65 = arith.constant 512 : i32
      %mul3A_66 = arith.muli %mul3A_65, %add3A_13 : i32
      %dma_start3A_67 = arith.constant 0 : i32
      %dma_start3A_68 = arith.constant 0 : i32
      %dma_start3A_69 = tpu.memref_slice %run_scoped3A_8[%rem3A_64, %dma_start3A_67, %dma_start3A_68] : memref<2x1x512xi32, #tpu.memory_space<vmem>> -> memref<1x1x512xi32, #tpu.memory_space<vmem>>
      %dma_start3A_70 = tpu.memref_squeeze %dma_start3A_69 : memref<1x1x512xi32, #tpu.memory_space<vmem>> -> memref<1x512xi32, #tpu.memory_space<vmem>>
      %dma_start3A_71 = arith.constant 0 : i32
      %dma_start3A_72 = tpu.memref_slice %arg4[%dma_start3A_71, %mul3A_66] : memref<1x3276800xi32, #tpu.memory_space<hbm>> -> memref<1x512xi32, #tpu.memory_space<hbm>>
      %dma_start3A_73 = tpu.memref_slice %run_scoped3A_9[%rem3A_64] : memref<2x!tpu.dma_semaphore, #tpu.memory_space<semaphore_mem>> -> memref<1x!tpu.dma_semaphore, #tpu.memory_space<semaphore_mem>>
      %dma_start3A_74 = tpu.memref_squeeze %dma_start3A_73 : memref<1x!tpu.dma_semaphore, #tpu.memory_space<semaphore_mem>> -> memref<!tpu.dma_semaphore, #tpu.memory_space<semaphore_mem>>
      %dma_start3A_75 = arith.constant 0 : i32
      %dma_start3A_76 = arith.constant 0 : i32
      %dma_start3A_77 = tpu.memref_slice %run_scoped3A_8[%rem3A_64, %dma_start3A_75, %dma_start3A_76] : memref<2x1x512xi32, #tpu.memory_space<vmem>> -> memref<1x1x512xi32, #tpu.memory_space<vmem>>
      %dma_start3A_78 = tpu.memref_squeeze %dma_start3A_77 : memref<1x1x512xi32, #tpu.memory_space<vmem>> -> memref<1x512xi32, #tpu.memory_space<vmem>>
      %dma_start3A_79 = arith.constant 0 : i32
      %dma_start3A_80 = tpu.memref_slice %arg4[%dma_start3A_79, %mul3A_66] : memref<1x3276800xi32, #tpu.memory_space<hbm>> -> memref<1x512xi32, #tpu.memory_space<hbm>>
      tpu.enqueue_dma source(%dma_start3A_80 : memref<1x512xi32, #tpu.memory_space<hbm>>) target(%dma_start3A_78 : memref<1x512xi32, #tpu.memory_space<vmem>>) target_semaphore(%dma_start3A_74 : memref<!tpu.dma_semaphore, #tpu.memory_space<semaphore_mem>>)
      %add3A_81 = arith.constant 0 : i32
      %add3A_82 = arith.constant 1 : i32
      %add3A_83 = arith.addi %add3A_81, %add3A_82 : i32
      %select_n3A_84 = arith.constant true
      %select_n3A_85 = arith.constant 0 : i32
      %select_n3A_86 = arith.select %select_n3A_84, %add3A_83, %select_n3A_85 : i32
      "tpu.trace_stop"() : () -> ()
      %scan3A = arith.constant 0 : i32
      %scan3A_87 = arith.constant 0 : i32
      %scan3A_88 = arith.constant 0 : i32
      %scan3A_89 = arith.constant 0 : i32
      %scan3A_90 = arith.constant 0 : i32
      %scan3A_91 = arith.constant 0 : i32
      %scan3A_92 = arith.constant 200 : i32
      %scan3A_93 = arith.addi %scan3A_91, %scan3A_92 : i32
      %scan3A_94 = arith.constant 1 : i32
      %scan3A_95:7 = scf.for %scan3A_149 = %scan3A_91 to %scan3A_93 step %scan3A_94 iter_args(%scan3A_150 = %select_n3A_61, %scan3A_151 = %scan3A, %scan3A_152 = %select_n3A_86, %scan3A_153 = %scan3A_87, %scan3A_154 = %scan3A_88, %scan3A_155 = %scan3A_89, %scan3A_156 = %scan3A_90) -> (i32, i32, i32, i32, i32, i32, i32)  : i32 {
        %eq3A_157 = arith.constant 0 : i32
        %eq3A_158 = arith.cmpi eq, %scan3A_149, %eq3A_157 : i32
        %eq3A_159 = arith.constant 199 : i32
        %eq3A_160 = arith.cmpi eq, %scan3A_149, %eq3A_159 : i32
        %add3A_161 = arith.addi %scan3A_156, %mul3A_6 : i32
        %sub3A_162 = arith.constant 1 : i32
        %sub3A_163 = arith.subi %scan3A_156, %sub3A_162 : i32
        %select_n3A_164 = arith.constant true
        %select_n3A_165 = arith.select %select_n3A_164, %sub3A_163, %scan3A_156 : i32
        %eq3A_166 = arith.constant -1 : i32
        %eq3A_167 = arith.cmpi eq, %select_n3A_165, %eq3A_166 : i32
        %select_n3A_168 = arith.constant 199 : i32
        %select_n3A_169 = arith.select %eq3A_167, %select_n3A_168, %select_n3A_165 : i32
        %add3A_170 = arith.addi %select_n3A_169, %mul3A_6 : i32
        %add3A_171 = arith.constant 1 : i32
        %add3A_172 = arith.addi %scan3A_156, %add3A_171 : i32
        %select_n3A_173 = arith.constant true
        %select_n3A_174 = arith.select %select_n3A_173, %add3A_172, %scan3A_156 : i32
        %eq3A_175 = arith.constant 200 : i32
        %eq3A_176 = arith.cmpi eq, %select_n3A_174, %eq3A_175 : i32
        %select_n3A_177 = arith.constant 0 : i32
        %select_n3A_178 = arith.select %eq3A_176, %select_n3A_177, %select_n3A_174 : i32
        %add3A_179 = arith.addi %select_n3A_178, %mul3A_6 : i32
        %add3A_180 = arith.constant 1 : i32
        %add3A_181 = arith.addi %select_n3A_178, %add3A_180 : i32
        %select_n3A_182 = arith.constant true
        %select_n3A_183 = arith.select %select_n3A_182, %add3A_181, %select_n3A_178 : i32
        %eq3A_184 = arith.constant 200 : i32
        %eq3A_185 = arith.cmpi eq, %select_n3A_183, %eq3A_184 : i32
        %select_n3A_186 = arith.constant 0 : i32
        %select_n3A_187 = arith.select %eq3A_185, %select_n3A_186, %select_n3A_183 : i32
        %add3A_188 = arith.addi %select_n3A_187, %mul3A_6 : i32
        %ne3A = arith.cmpi ne, %add3A_161, %add3A_179 : i32
        %or3A = arith.constant false
        %or3A_189 = arith.ori %or3A, %ne3A : i1
        %ge3A = arith.constant 199 : i32
        %ge3A_190 = arith.cmpi sge, %scan3A_149, %ge3A : i32
        %not3A = arith.constant true
        %not3A_191 = arith.xori %ge3A_190, %not3A : i1
        %and3A = arith.andi %or3A_189, %not3A_191 : i1
        %convert_element_type3A = arith.extui %and3A : i1 to i32
        %cond3A = arith.constant 0 : i32
        %cond3A_192 = arith.cmpi ne, %convert_element_type3A, %cond3A : i32
        scf.if %cond3A_192 {
          "tpu.trace_start"() <{level = 10 : i32, message = "ep_copy_in"}> : () -> ()
          %rem3A_358 = arith.constant 2 : i32
          %rem3A_359 = arith.remui %scan3A_150, %rem3A_358 : i32
          %mul3A_360 = arith.constant 512 : i32
          %mul3A_361 = arith.muli %mul3A_360, %add3A_179 : i32
          %dma_start3A_362 = arith.constant 0 : i32
          %dma_start3A_363 = arith.constant 0 : i32
          %dma_start3A_364 = tpu.memref_slice %run_scoped3A[%rem3A_359, %dma_start3A_362, %dma_start3A_363] : memref<2x1x512xi32, #tpu.memory_space<vmem>> -> memref<1x1x512xi32, #tpu.memory_space<vmem>>
          %dma_start3A_365 = tpu.memref_squeeze %dma_start3A_364 : memref<1x1x512xi32, #tpu.memory_space<vmem>> -> memref<1x512xi32, #tpu.memory_space<vmem>>
          %dma_start3A_366 = arith.constant 0 : i32
          %dma_start3A_367 = tpu.memref_slice %arg3[%dma_start3A_366, %mul3A_361] : memref<1x3276800xi32, #tpu.memory_space<hbm>> -> memref<1x512xi32, #tpu.memory_space<hbm>>
          %dma_start3A_368 = tpu.memref_slice %run_scoped3A_7[%rem3A_359] : memref<2x!tpu.dma_semaphore, #tpu.memory_space<semaphore_mem>> -> memref<1x!tpu.dma_semaphore, #tpu.memory_space<semaphore_mem>>
          %dma_start3A_369 = tpu.memref_squeeze %dma_start3A_368 : memref<1x!tpu.dma_semaphore, #tpu.memory_space<semaphore_mem>> -> memref<!tpu.dma_semaphore, #tpu.memory_space<semaphore_mem>>
          %dma_start3A_370 = arith.constant 0 : i32
          %dma_start3A_371 = arith.constant 0 : i32
          %dma_start3A_372 = tpu.memref_slice %run_scoped3A[%rem3A_359, %dma_start3A_370, %dma_start3A_371] : memref<2x1x512xi32, #tpu.memory_space<vmem>> -> memref<1x1x512xi32, #tpu.memory_space<vmem>>
          %dma_start3A_373 = tpu.memref_squeeze %dma_start3A_372 : memref<1x1x512xi32, #tpu.memory_space<vmem>> -> memref<1x512xi32, #tpu.memory_space<vmem>>
          %dma_start3A_374 = arith.constant 0 : i32
          %dma_start3A_375 = tpu.memref_slice %arg3[%dma_start3A_374, %mul3A_361] : memref<1x3276800xi32, #tpu.memory_space<hbm>> -> memref<1x512xi32, #tpu.memory_space<hbm>>
          tpu.enqueue_dma source(%dma_start3A_375 : memref<1x512xi32, #tpu.memory_space<hbm>>) target(%dma_start3A_373 : memref<1x512xi32, #tpu.memory_space<vmem>>) target_semaphore(%dma_start3A_369 : memref<!tpu.dma_semaphore, #tpu.memory_space<semaphore_mem>>)
          "tpu.trace_stop"() : () -> ()
        } else {
        }
        %and3A_193 = arith.constant true
        %and3A_194 = arith.andi %and3A, %and3A_193 : i1
        %add3A_195 = arith.constant 1 : i32
        %add3A_196 = arith.addi %scan3A_150, %add3A_195 : i32
        %select_n3A_197 = arith.select %and3A_194, %add3A_196, %scan3A_150 : i32
        %ne3A_198 = arith.cmpi ne, %add3A_161, %add3A_179 : i32
        %or3A_199 = arith.constant false
        %or3A_200 = arith.ori %or3A_199, %ne3A_198 : i1
        %ge3A_201 = arith.constant 199 : i32
        %ge3A_202 = arith.cmpi sge, %scan3A_149, %ge3A_201 : i32
        %not3A_203 = arith.constant true
        %not3A_204 = arith.xori %ge3A_202, %not3A_203 : i1
        %and3A_205 = arith.andi %or3A_200, %not3A_204 : i1
        %convert_element_type3A_206 = arith.extui %and3A_205 : i1 to i32
        %cond3A_207 = arith.constant 0 : i32
        %cond3A_208 = arith.cmpi ne, %convert_element_type3A_206, %cond3A_207 : i32
        scf.if %cond3A_208 {
          "tpu.trace_start"() <{level = 10 : i32, message = "ep_copy_in"}> : () -> ()
          %rem3A_358 = arith.constant 2 : i32
          %rem3A_359 = arith.remui %scan3A_152, %rem3A_358 : i32
          %mul3A_360 = arith.constant 512 : i32
          %mul3A_361 = arith.muli %mul3A_360, %add3A_179 : i32
          %dma_start3A_362 = arith.constant 0 : i32
          %dma_start3A_363 = arith.constant 0 : i32
          %dma_start3A_364 = tpu.memref_slice %run_scoped3A_8[%rem3A_359, %dma_start3A_362, %dma_start3A_363] : memref<2x1x512xi32, #tpu.memory_space<vmem>> -> memref<1x1x512xi32, #tpu.memory_space<vmem>>
          %dma_start3A_365 = tpu.memref_squeeze %dma_start3A_364 : memref<1x1x512xi32, #tpu.memory_space<vmem>> -> memref<1x512xi32, #tpu.memory_space<vmem>>
          %dma_start3A_366 = arith.constant 0 : i32
          %dma_start3A_367 = tpu.memref_slice %arg4[%dma_start3A_366, %mul3A_361] : memref<1x3276800xi32, #tpu.memory_space<hbm>> -> memref<1x512xi32, #tpu.memory_space<hbm>>
          %dma_start3A_368 = tpu.memref_slice %run_scoped3A_9[%rem3A_359] : memref<2x!tpu.dma_semaphore, #tpu.memory_space<semaphore_mem>> -> memref<1x!tpu.dma_semaphore, #tpu.memory_space<semaphore_mem>>
          %dma_start3A_369 = tpu.memref_squeeze %dma_start3A_368 : memref<1x!tpu.dma_semaphore, #tpu.memory_space<semaphore_mem>> -> memref<!tpu.dma_semaphore, #tpu.memory_space<semaphore_mem>>
          %dma_start3A_370 = arith.constant 0 : i32
          %dma_start3A_371 = arith.constant 0 : i32
          %dma_start3A_372 = tpu.memref_slice %run_scoped3A_8[%rem3A_359, %dma_start3A_370, %dma_start3A_371] : memref<2x1x512xi32, #tpu.memory_space<vmem>> -> memref<1x1x512xi32, #tpu.memory_space<vmem>>
          %dma_start3A_373 = tpu.memref_squeeze %dma_start3A_372 : memref<1x1x512xi32, #tpu.memory_space<vmem>> -> memref<1x512xi32, #tpu.memory_space<vmem>>
          %dma_start3A_374 = arith.constant 0 : i32
          %dma_start3A_375 = tpu.memref_slice %arg4[%dma_start3A_374, %mul3A_361] : memref<1x3276800xi32, #tpu.memory_space<hbm>> -> memref<1x512xi32, #tpu.memory_space<hbm>>
          tpu.enqueue_dma source(%dma_start3A_375 : memref<1x512xi32, #tpu.memory_space<hbm>>) target(%dma_start3A_373 : memref<1x512xi32, #tpu.memory_space<vmem>>) target_semaphore(%dma_start3A_369 : memref<!tpu.dma_semaphore, #tpu.memory_space<semaphore_mem>>)
          "tpu.trace_stop"() : () -> ()
        } else {
        }
        %and3A_209 = arith.constant true
        %and3A_210 = arith.andi %and3A_205, %and3A_209 : i1
        %add3A_211 = arith.constant 1 : i32
        %add3A_212 = arith.addi %scan3A_152, %add3A_211 : i32
        %select_n3A_213 = arith.select %and3A_210, %add3A_212, %scan3A_152 : i32
        %ne3A_214 = arith.cmpi ne, %add3A_161, %add3A_179 : i32
        %or3A_215 = arith.constant false
        %or3A_216 = arith.ori %or3A_215, %ne3A_214 : i1
        %or3A_217 = arith.constant false
        %or3A_218 = arith.ori %or3A_216, %or3A_217 : i1
        %ge3A_219 = arith.constant 199 : i32
        %ge3A_220 = arith.cmpi sge, %scan3A_149, %ge3A_219 : i32
        %not3A_221 = arith.constant true
        %not3A_222 = arith.xori %ge3A_220, %not3A_221 : i1
        %and3A_223 = arith.andi %or3A_218, %not3A_222 : i1
        %ne3A_224 = arith.cmpi ne, %add3A_161, %add3A_170 : i32
        %or3A_225 = arith.constant false
        %or3A_226 = arith.ori %or3A_225, %ne3A_224 : i1
        %or3A_227 = arith.ori %or3A_226, %eq3A_158 : i1
        %convert_element_type3A_228 = arith.extui %or3A_227 : i1 to i32
        %cond3A_229 = arith.constant 0 : i32
        %cond3A_230 = arith.cmpi ne, %convert_element_type3A_228, %cond3A_229 : i32
        scf.if %cond3A_230 {
          "tpu.trace_start"() <{level = 10 : i32, message = "ep_wait_in"}> : () -> ()
          %mul3A_358 = arith.constant 512 : i32
          %mul3A_359 = arith.muli %mul3A_358, %add3A_161 : i32
          %rem3A_360 = arith.constant 2 : i32
          %rem3A_361 = arith.remui %scan3A_151, %rem3A_360 : i32
          %dma_wait3A_362 = arith.constant 0 : i32
          %dma_wait3A_363 = arith.constant 0 : i32
          %dma_wait3A_364 = tpu.memref_slice %run_scoped3A[%rem3A_361, %dma_wait3A_362, %dma_wait3A_363] : memref<2x1x512xi32, #tpu.memory_space<vmem>> -> memref<1x1x512xi32, #tpu.memory_space<vmem>>
          %dma_wait3A_365 = tpu.memref_squeeze %dma_wait3A_364 : memref<1x1x512xi32, #tpu.memory_space<vmem>> -> memref<1x512xi32, #tpu.memory_space<vmem>>
          %dma_wait3A_366 = arith.constant 0 : i32
          %dma_wait3A_367 = tpu.memref_slice %arg3[%dma_wait3A_366, %mul3A_359] : memref<1x3276800xi32, #tpu.memory_space<hbm>> -> memref<1x512xi32, #tpu.memory_space<hbm>>
          %dma_wait3A_368 = tpu.memref_slice %run_scoped3A_7[%rem3A_361] : memref<2x!tpu.dma_semaphore, #tpu.memory_space<semaphore_mem>> -> memref<1x!tpu.dma_semaphore, #tpu.memory_space<semaphore_mem>>
          %dma_wait3A_369 = tpu.memref_squeeze %dma_wait3A_368 : memref<1x!tpu.dma_semaphore, #tpu.memory_space<semaphore_mem>> -> memref<!tpu.dma_semaphore, #tpu.memory_space<semaphore_mem>>
          %dma_wait3A_370 = arith.constant 0 : i32
          %dma_wait3A_371 = arith.constant 0 : i32
          %dma_wait3A_372 = tpu.memref_slice %run_scoped3A[%rem3A_361, %dma_wait3A_370, %dma_wait3A_371] : memref<2x1x512xi32, #tpu.memory_space<vmem>> -> memref<1x1x512xi32, #tpu.memory_space<vmem>>
          %dma_wait3A_373 = tpu.memref_squeeze %dma_wait3A_372 : memref<1x1x512xi32, #tpu.memory_space<vmem>> -> memref<1x512xi32, #tpu.memory_space<vmem>>
          %dma_wait3A_374 = arith.constant 0 : i32
          %dma_wait3A_375 = tpu.memref_slice %arg3[%dma_wait3A_374, %mul3A_359] : memref<1x3276800xi32, #tpu.memory_space<hbm>> -> memref<1x512xi32, #tpu.memory_space<hbm>>
          tpu.wait_dma2 semaphore(%dma_wait3A_369 : memref<!tpu.dma_semaphore, #tpu.memory_space<semaphore_mem>>) src(%dma_wait3A_375 : memref<1x512xi32, #tpu.memory_space<hbm>>) dst(%dma_wait3A_373 : memref<1x512xi32, #tpu.memory_space<vmem>>)
          "tpu.trace_stop"() : () -> ()
        } else {
        }
        %ne3A_231 = arith.cmpi ne, %add3A_161, %add3A_170 : i32
        %or3A_232 = arith.constant false
        %or3A_233 = arith.ori %or3A_232, %ne3A_231 : i1
        %or3A_234 = arith.ori %or3A_233, %eq3A_158 : i1
        %convert_element_type3A_235 = arith.extui %or3A_234 : i1 to i32
        %cond3A_236 = arith.constant 0 : i32
        %cond3A_237 = arith.cmpi ne, %convert_element_type3A_235, %cond3A_236 : i32
        scf.if %cond3A_237 {
          "tpu.trace_start"() <{level = 10 : i32, message = "ep_wait_in"}> : () -> ()
          %mul3A_358 = arith.constant 512 : i32
          %mul3A_359 = arith.muli %mul3A_358, %add3A_161 : i32
          %rem3A_360 = arith.constant 2 : i32
          %rem3A_361 = arith.remui %scan3A_153, %rem3A_360 : i32
          %dma_wait3A_362 = arith.constant 0 : i32
          %dma_wait3A_363 = arith.constant 0 : i32
          %dma_wait3A_364 = tpu.memref_slice %run_scoped3A_8[%rem3A_361, %dma_wait3A_362, %dma_wait3A_363] : memref<2x1x512xi32, #tpu.memory_space<vmem>> -> memref<1x1x512xi32, #tpu.memory_space<vmem>>
          %dma_wait3A_365 = tpu.memref_squeeze %dma_wait3A_364 : memref<1x1x512xi32, #tpu.memory_space<vmem>> -> memref<1x512xi32, #tpu.memory_space<vmem>>
          %dma_wait3A_366 = arith.constant 0 : i32
          %dma_wait3A_367 = tpu.memref_slice %arg4[%dma_wait3A_366, %mul3A_359] : memref<1x3276800xi32, #tpu.memory_space<hbm>> -> memref<1x512xi32, #tpu.memory_space<hbm>>
          %dma_wait3A_368 = tpu.memref_slice %run_scoped3A_9[%rem3A_361] : memref<2x!tpu.dma_semaphore, #tpu.memory_space<semaphore_mem>> -> memref<1x!tpu.dma_semaphore, #tpu.memory_space<semaphore_mem>>
          %dma_wait3A_369 = tpu.memref_squeeze %dma_wait3A_368 : memref<1x!tpu.dma_semaphore, #tpu.memory_space<semaphore_mem>> -> memref<!tpu.dma_semaphore, #tpu.memory_space<semaphore_mem>>
          %dma_wait3A_370 = arith.constant 0 : i32
          %dma_wait3A_371 = arith.constant 0 : i32
          %dma_wait3A_372 = tpu.memref_slice %run_scoped3A_8[%rem3A_361, %dma_wait3A_370, %dma_wait3A_371] : memref<2x1x512xi32, #tpu.memory_space<vmem>> -> memref<1x1x512xi32, #tpu.memory_space<vmem>>
          %dma_wait3A_373 = tpu.memref_squeeze %dma_wait3A_372 : memref<1x1x512xi32, #tpu.memory_space<vmem>> -> memref<1x512xi32, #tpu.memory_space<vmem>>
          %dma_wait3A_374 = arith.constant 0 : i32
          %dma_wait3A_375 = tpu.memref_slice %arg4[%dma_wait3A_374, %mul3A_359] : memref<1x3276800xi32, #tpu.memory_space<hbm>> -> memref<1x512xi32, #tpu.memory_space<hbm>>
          tpu.wait_dma2 semaphore(%dma_wait3A_369 : memref<!tpu.dma_semaphore, #tpu.memory_space<semaphore_mem>>) src(%dma_wait3A_375 : memref<1x512xi32, #tpu.memory_space<hbm>>) dst(%dma_wait3A_373 : memref<1x512xi32, #tpu.memory_space<vmem>>)
          "tpu.trace_stop"() : () -> ()
        } else {
        }
        %ne3A_238 = arith.cmpi ne, %add3A_161, %add3A_170 : i32
        %or3A_239 = arith.constant false
        %or3A_240 = arith.ori %or3A_239, %ne3A_238 : i1
        %or3A_241 = arith.constant false
        %or3A_242 = arith.ori %or3A_240, %or3A_241 : i1
        %or3A_243 = arith.ori %or3A_242, %eq3A_158 : i1
        %convert_element_type3A_244 = arith.extui %or3A_243 : i1 to i32
        %cond3A_245 = arith.constant 0 : i32
        %cond3A_246 = arith.cmpi ne, %convert_element_type3A_244, %cond3A_245 : i32
        scf.if %cond3A_246 {
        } else {
        }
        %rem3A_247 = arith.constant 2 : i32
        %rem3A_248 = arith.remui %scan3A_151, %rem3A_247 : i32
        %rem3A_249 = arith.constant 2 : i32
        %rem3A_250 = arith.remui %scan3A_153, %rem3A_249 : i32
        %rem3A_251 = arith.constant 2 : i32
        %rem3A_252 = arith.remui %scan3A_154, %rem3A_251 : i32
        %run_scoped3A_253 = arith.constant 0 : i32
        "tpu.trace_start"() <{level = 10 : i32, message = "ep_run_kernel"}> : () -> ()
        "tpu.region"() ({
          %run_scoped3A_358 = tpu.sem_alloc : memref<!tpu.dma_semaphore, #tpu.memory_space<semaphore_mem>>
          %dma_start3A_359 = arith.constant 0 : i32
          %dma_start3A_360 = arith.constant 0 : i32
          %dma_start3A_361 = tpu.memref_slice %run_scoped3A[%rem3A_248, %dma_start3A_359, %dma_start3A_360] : memref<2x1x512xi32, #tpu.memory_space<vmem>> -> memref<1x1x512xi32, #tpu.memory_space<vmem>>
          %dma_start3A_362 = tpu.memref_squeeze %dma_start3A_361 : memref<1x1x512xi32, #tpu.memory_space<vmem>> -> memref<1x512xi32, #tpu.memory_space<vmem>>
          %dma_start3A_363 = arith.constant 0 : i32
          %dma_start3A_364 = tpu.memref_slice %dma_start3A_362[%run_scoped3A_253, %dma_start3A_363] : memref<1x512xi32, #tpu.memory_space<vmem>> -> memref<1x512xi32, #tpu.memory_space<vmem>>
          %dma_start3A_365 = tpu.memref_squeeze %dma_start3A_364 : memref<1x512xi32, #tpu.memory_space<vmem>> -> memref<512xi32, #tpu.memory_space<vmem>>
          %dma_start3A_366 = arith.constant 0 : i32
          %dma_start3A_367 = arith.constant 0 : i32
          %dma_start3A_368 = tpu.memref_slice %arg2[%dma_start3A_366, %dma_start3A_367] : memref<125000x128xf32, #tpu.memory_space<hbm>> -> memref<125000x128xf32, #tpu.memory_space<hbm>>
          tpu.enqueue_indirect_dma source(%dma_start3A_368 : memref<125000x128xf32, #tpu.memory_space<hbm>>) target(%arg6 : memref<512x128xf32, #tpu.memory_space<vmem>>) offsets(%dma_start3A_365 : memref<512xi32, #tpu.memory_space<vmem>>) semaphore(%run_scoped3A_358 : memref<!tpu.dma_semaphore, #tpu.memory_space<semaphore_mem>>)
          %dma_wait3A_369 = arith.constant 0 : i32
          %dma_wait3A_370 = arith.constant 0 : i32
          %dma_wait3A_371 = tpu.memref_slice %run_scoped3A[%rem3A_248, %dma_wait3A_369, %dma_wait3A_370] : memref<2x1x512xi32, #tpu.memory_space<vmem>> -> memref<1x1x512xi32, #tpu.memory_space<vmem>>
          %dma_wait3A_372 = tpu.memref_squeeze %dma_wait3A_371 : memref<1x1x512xi32, #tpu.memory_space<vmem>> -> memref<1x512xi32, #tpu.memory_space<vmem>>
          %dma_wait3A_373 = arith.constant 0 : i32
          %dma_wait3A_374 = tpu.memref_slice %dma_wait3A_372[%run_scoped3A_253, %dma_wait3A_373] : memref<1x512xi32, #tpu.memory_space<vmem>> -> memref<1x512xi32, #tpu.memory_space<vmem>>
          %dma_wait3A_375 = tpu.memref_squeeze %dma_wait3A_374 : memref<1x512xi32, #tpu.memory_space<vmem>> -> memref<512xi32, #tpu.memory_space<vmem>>
          %dma_wait3A_376 = arith.constant 0 : i32
          %dma_wait3A_377 = arith.constant 0 : i32
          %dma_wait3A_378 = tpu.memref_slice %arg2[%dma_wait3A_376, %dma_wait3A_377] : memref<125000x128xf32, #tpu.memory_space<hbm>> -> memref<125000x128xf32, #tpu.memory_space<hbm>>
          tpu.wait_indirect_dma semaphore(%run_scoped3A_358 : memref<!tpu.dma_semaphore, #tpu.memory_space<semaphore_mem>>) src(%dma_wait3A_378 : memref<125000x128xf32, #tpu.memory_space<hbm>>) dst(%arg6 : memref<512x128xf32, #tpu.memory_space<vmem>>)
          tpu.yield
        }) : () -> ()
        %iota3A = tpu.iota {dimensions = array<i32: 0>} : vector<16xi32>
        %shift_right_logical3A = arith.constant 3 : i32
        %shift_right_logical3A_254 = vector.broadcast %shift_right_logical3A : i32 to vector<16xi32>
        %shift_right_logical3A_255 = arith.shrui %iota3A, %shift_right_logical3A_254 : vector<16xi32>
        %and3A_256 = arith.constant 7 : i32
        %and3A_257 = vector.broadcast %and3A_256 : i32 to vector<16xi32>
        %and3A_258 = arith.andi %iota3A, %and3A_257 : vector<16xi32>
        %shift_left3A = arith.constant 4 : i32
        %shift_left3A_259 = vector.broadcast %shift_left3A : i32 to vector<16xi32>
        %shift_left3A_260 = arith.shli %and3A_258, %shift_left3A_259 : vector<16xi32>
        %scan3A_261 = arith.constant 0 : i32
        %scan3A_262 = arith.constant 32 : i32
        %scan3A_263 = arith.addi %scan3A_261, %scan3A_262 : i32
        %scan3A_264 = arith.constant 1 : i32
        scf.for %scan3A_358 = %scan3A_261 to %scan3A_263 step %scan3A_264  : i32 {
          %mul3A_359 = arith.constant 1 : i32
          %mul3A_360 = arith.muli %scan3A_358, %mul3A_359 : i32
          %add3A_361 = arith.constant 0 : i32
          %add3A_362 = arith.addi %add3A_361, %mul3A_360 : i32
          %mul3A_363 = arith.constant 16 : i32
          %mul3A_364 = arith.muli %add3A_362, %mul3A_363 : i32
          %add3A_365 = vector.broadcast %mul3A_364 : i32 to vector<16xi32>
          %add3A_366 = arith.addi %iota3A, %add3A_365 : vector<16xi32>
          %get3A = arith.constant 0 : i32
          %get3A_367 = arith.constant 0 : i32
          %get3A_368 = arith.constant 0 : i32
          %get3A_369 = tpu.memref_slice %run_scoped3A_8[%rem3A_250, %get3A_367, %get3A_368] : memref<2x1x512xi32, #tpu.memory_space<vmem>> -> memref<1x1x512xi32, #tpu.memory_space<vmem>>
          %get3A_370 = tpu.memref_squeeze %get3A_369 : memref<1x1x512xi32, #tpu.memory_space<vmem>> -> memref<1x512xi32, #tpu.memory_space<vmem>>
          %get3A_371 = arith.constant 0 : i32
          %get3A_372 = tpu.memref_slice %get3A_370[%get3A, %get3A_371] : memref<1x512xi32, #tpu.memory_space<vmem>> -> memref<1x512xi32, #tpu.memory_space<vmem>>
          %get3A_373 = tpu.memref_squeeze %get3A_372 : memref<1x512xi32, #tpu.memory_space<vmem>> -> memref<512xi32, #tpu.memory_space<vmem>>
          %get3A_374 = arith.index_cast %mul3A_364 : i32 to index
          %get3A_375 = tpu.vector_load %get3A_373[%get3A_374] {strides = array<i32>} : memref<512xi32, #tpu.memory_space<vmem>>, vector<16xi32>,
          %mul3A_376 = arith.constant 2 : i32
          %mul3A_377 = arith.muli %add3A_362, %mul3A_376 : i32
          %add3A_378 = vector.broadcast %mul3A_377 : i32 to vector<16xi32>
          %add3A_379 = arith.addi %shift_right_logical3A_255, %add3A_378 : vector<16xi32>
          %add3A_380 = arith.constant 0 : i32
          %add3A_381 = vector.broadcast %add3A_380 : i32 to vector<16xi32>
          %add3A_382 = arith.addi %get3A_375, %add3A_381 : vector<16xi32>
          %gather3A = tpu.vector_load_idx %arg6[%add3A_366, %add3A_382] : memref<512x128xf32, #tpu.memory_space<vmem>>[vector<16xi32>, vector<16xi32>], vector<16xf32>,
          %add3A_383 = arith.constant 0 : i32
          %add3A_384 = vector.broadcast %add3A_383 : i32 to vector<16xi32>
          %add3A_385 = arith.addi %shift_left3A_260, %add3A_384 : vector<16xi32>
          %scatter3A = arith.constant 0 : i32
          %scatter3A_386 = arith.constant 0 : i32
          %scatter3A_387 = tpu.memref_slice %run_scoped3A_10[%rem3A_252, %scatter3A, %scatter3A_386] : memref<2x64x128xf32, #tpu.memory_space<vmem>> -> memref<1x64x128xf32, #tpu.memory_space<vmem>>
          %scatter3A_388 = tpu.memref_squeeze %scatter3A_387 : memref<1x64x128xf32, #tpu.memory_space<vmem>> -> memref<64x128xf32, #tpu.memory_space<vmem>>
          tpu.vector_store_idx %scatter3A_388[%add3A_379, %add3A_385], %gather3A : memref<64x128xf32, #tpu.memory_space<vmem>>[vector<16xi32>, vector<16xi32>], vector<16xf32>,
          %add3A_389 = arith.constant 1 : i32
          %add3A_390 = vector.broadcast %add3A_389 : i32 to vector<16xi32>
          %add3A_391 = arith.addi %get3A_375, %add3A_390 : vector<16xi32>
          %gather3A_392 = tpu.vector_load_idx %arg6[%add3A_366, %add3A_391] : memref<512x128xf32, #tpu.memory_space<vmem>>[vector<16xi32>, vector<16xi32>], vector<16xf32>,
          %add3A_393 = arith.constant 1 : i32
          %add3A_394 = vector.broadcast %add3A_393 : i32 to vector<16xi32>
          %add3A_395 = arith.addi %shift_left3A_260, %add3A_394 : vector<16xi32>
          %scatter3A_396 = arith.constant 0 : i32
          %scatter3A_397 = arith.constant 0 : i32
          %scatter3A_398 = tpu.memref_slice %run_scoped3A_10[%rem3A_252, %scatter3A_396, %scatter3A_397] : memref<2x64x128xf32, #tpu.memory_space<vmem>> -> memref<1x64x128xf32, #tpu.memory_space<vmem>>
          %scatter3A_399 = tpu.memref_squeeze %scatter3A_398 : memref<1x64x128xf32, #tpu.memory_space<vmem>> -> memref<64x128xf32, #tpu.memory_space<vmem>>
          tpu.vector_store_idx %scatter3A_399[%add3A_379, %add3A_395], %gather3A_392 : memref<64x128xf32, #tpu.memory_space<vmem>>[vector<16xi32>, vector<16xi32>], vector<16xf32>,
          %add3A_400 = arith.constant 2 : i32
          %add3A_401 = vector.broadcast %add3A_400 : i32 to vector<16xi32>
          %add3A_402 = arith.addi %get3A_375, %add3A_401 : vector<16xi32>
          %gather3A_403 = tpu.vector_load_idx %arg6[%add3A_366, %add3A_402] : memref<512x128xf32, #tpu.memory_space<vmem>>[vector<16xi32>, vector<16xi32>], vector<16xf32>,
          %add3A_404 = arith.constant 2 : i32
          %add3A_405 = vector.broadcast %add3A_404 : i32 to vector<16xi32>
          %add3A_406 = arith.addi %shift_left3A_260, %add3A_405 : vector<16xi32>
          %scatter3A_407 = arith.constant 0 : i32
          %scatter3A_408 = arith.constant 0 : i32
          %scatter3A_409 = tpu.memref_slice %run_scoped3A_10[%rem3A_252, %scatter3A_407, %scatter3A_408] : memref<2x64x128xf32, #tpu.memory_space<vmem>> -> memref<1x64x128xf32, #tpu.memory_space<vmem>>
          %scatter3A_410 = tpu.memref_squeeze %scatter3A_409 : memref<1x64x128xf32, #tpu.memory_space<vmem>> -> memref<64x128xf32, #tpu.memory_space<vmem>>
          tpu.vector_store_idx %scatter3A_410[%add3A_379, %add3A_406], %gather3A_403 : memref<64x128xf32, #tpu.memory_space<vmem>>[vector<16xi32>, vector<16xi32>], vector<16xf32>,
          %add3A_411 = arith.constant 3 : i32
          %add3A_412 = vector.broadcast %add3A_411 : i32 to vector<16xi32>
          %add3A_413 = arith.addi %get3A_375, %add3A_412 : vector<16xi32>
          %gather3A_414 = tpu.vector_load_idx %arg6[%add3A_366, %add3A_413] : memref<512x128xf32, #tpu.memory_space<vmem>>[vector<16xi32>, vector<16xi32>], vector<16xf32>,
          %add3A_415 = arith.constant 3 : i32
          %add3A_416 = vector.broadcast %add3A_415 : i32 to vector<16xi32>
          %add3A_417 = arith.addi %shift_left3A_260, %add3A_416 : vector<16xi32>
          %scatter3A_418 = arith.constant 0 : i32
          %scatter3A_419 = arith.constant 0 : i32
          %scatter3A_420 = tpu.memref_slice %run_scoped3A_10[%rem3A_252, %scatter3A_418, %scatter3A_419] : memref<2x64x128xf32, #tpu.memory_space<vmem>> -> memref<1x64x128xf32, #tpu.memory_space<vmem>>
          %scatter3A_421 = tpu.memref_squeeze %scatter3A_420 : memref<1x64x128xf32, #tpu.memory_space<vmem>> -> memref<64x128xf32, #tpu.memory_space<vmem>>
          tpu.vector_store_idx %scatter3A_421[%add3A_379, %add3A_417], %gather3A_414 : memref<64x128xf32, #tpu.memory_space<vmem>>[vector<16xi32>, vector<16xi32>], vector<16xf32>,
          %add3A_422 = arith.constant 4 : i32
          %add3A_423 = vector.broadcast %add3A_422 : i32 to vector<16xi32>
          %add3A_424 = arith.addi %get3A_375, %add3A_423 : vector<16xi32>
          %gather3A_425 = tpu.vector_load_idx %arg6[%add3A_366, %add3A_424] : memref<512x128xf32, #tpu.memory_space<vmem>>[vector<16xi32>, vector<16xi32>], vector<16xf32>,
          %add3A_426 = arith.constant 4 : i32
          %add3A_427 = vector.broadcast %add3A_426 : i32 to vector<16xi32>
          %add3A_428 = arith.addi %shift_left3A_260, %add3A_427 : vector<16xi32>
          %scatter3A_429 = arith.constant 0 : i32
          %scatter3A_430 = arith.constant 0 : i32
          %scatter3A_431 = tpu.memref_slice %run_scoped3A_10[%rem3A_252, %scatter3A_429, %scatter3A_430] : memref<2x64x128xf32, #tpu.memory_space<vmem>> -> memref<1x64x128xf32, #tpu.memory_space<vmem>>
          %scatter3A_432 = tpu.memref_squeeze %scatter3A_431 : memref<1x64x128xf32, #tpu.memory_space<vmem>> -> memref<64x128xf32, #tpu.memory_space<vmem>>
          tpu.vector_store_idx %scatter3A_432[%add3A_379, %add3A_428], %gather3A_425 : memref<64x128xf32, #tpu.memory_space<vmem>>[vector<16xi32>, vector<16xi32>], vector<16xf32>,
          %add3A_433 = arith.constant 5 : i32
          %add3A_434 = vector.broadcast %add3A_433 : i32 to vector<16xi32>
          %add3A_435 = arith.addi %get3A_375, %add3A_434 : vector<16xi32>
          %gather3A_436 = tpu.vector_load_idx %arg6[%add3A_366, %add3A_435] : memref<512x128xf32, #tpu.memory_space<vmem>>[vector<16xi32>, vector<16xi32>], vector<16xf32>,
          %add3A_437 = arith.constant 5 : i32
          %add3A_438 = vector.broadcast %add3A_437 : i32 to vector<16xi32>
          %add3A_439 = arith.addi %shift_left3A_260, %add3A_438 : vector<16xi32>
          %scatter3A_440 = arith.constant 0 : i32
          %scatter3A_441 = arith.constant 0 : i32
          %scatter3A_442 = tpu.memref_slice %run_scoped3A_10[%rem3A_252, %scatter3A_440, %scatter3A_441] : memref<2x64x128xf32, #tpu.memory_space<vmem>> -> memref<1x64x128xf32, #tpu.memory_space<vmem>>
          %scatter3A_443 = tpu.memref_squeeze %scatter3A_442 : memref<1x64x128xf32, #tpu.memory_space<vmem>> -> memref<64x128xf32, #tpu.memory_space<vmem>>
          tpu.vector_store_idx %scatter3A_443[%add3A_379, %add3A_439], %gather3A_436 : memref<64x128xf32, #tpu.memory_space<vmem>>[vector<16xi32>, vector<16xi32>], vector<16xf32>,
          %add3A_444 = arith.constant 6 : i32
          %add3A_445 = vector.broadcast %add3A_444 : i32 to vector<16xi32>
          %add3A_446 = arith.addi %get3A_375, %add3A_445 : vector<16xi32>
          %gather3A_447 = tpu.vector_load_idx %arg6[%add3A_366, %add3A_446] : memref<512x128xf32, #tpu.memory_space<vmem>>[vector<16xi32>, vector<16xi32>], vector<16xf32>,
          %add3A_448 = arith.constant 6 : i32
          %add3A_449 = vector.broadcast %add3A_448 : i32 to vector<16xi32>
          %add3A_450 = arith.addi %shift_left3A_260, %add3A_449 : vector<16xi32>
          %scatter3A_451 = arith.constant 0 : i32
          %scatter3A_452 = arith.constant 0 : i32
          %scatter3A_453 = tpu.memref_slice %run_scoped3A_10[%rem3A_252, %scatter3A_451, %scatter3A_452] : memref<2x64x128xf32, #tpu.memory_space<vmem>> -> memref<1x64x128xf32, #tpu.memory_space<vmem>>
          %scatter3A_454 = tpu.memref_squeeze %scatter3A_453 : memref<1x64x128xf32, #tpu.memory_space<vmem>> -> memref<64x128xf32, #tpu.memory_space<vmem>>
          tpu.vector_store_idx %scatter3A_454[%add3A_379, %add3A_450], %gather3A_447 : memref<64x128xf32, #tpu.memory_space<vmem>>[vector<16xi32>, vector<16xi32>], vector<16xf32>,
          %add3A_455 = arith.constant 7 : i32
          %add3A_456 = vector.broadcast %add3A_455 : i32 to vector<16xi32>
          %add3A_457 = arith.addi %get3A_375, %add3A_456 : vector<16xi32>
          %gather3A_458 = tpu.vector_load_idx %arg6[%add3A_366, %add3A_457] : memref<512x128xf32, #tpu.memory_space<vmem>>[vector<16xi32>, vector<16xi32>], vector<16xf32>,
          %add3A_459 = arith.constant 7 : i32
          %add3A_460 = vector.broadcast %add3A_459 : i32 to vector<16xi32>
          %add3A_461 = arith.addi %shift_left3A_260, %add3A_460 : vector<16xi32>
          %scatter3A_462 = arith.constant 0 : i32
          %scatter3A_463 = arith.constant 0 : i32
          %scatter3A_464 = tpu.memref_slice %run_scoped3A_10[%rem3A_252, %scatter3A_462, %scatter3A_463] : memref<2x64x128xf32, #tpu.memory_space<vmem>> -> memref<1x64x128xf32, #tpu.memory_space<vmem>>
          %scatter3A_465 = tpu.memref_squeeze %scatter3A_464 : memref<1x64x128xf32, #tpu.memory_space<vmem>> -> memref<64x128xf32, #tpu.memory_space<vmem>>
          tpu.vector_store_idx %scatter3A_465[%add3A_379, %add3A_461], %gather3A_458 : memref<64x128xf32, #tpu.memory_space<vmem>>[vector<16xi32>, vector<16xi32>], vector<16xf32>,
          %add3A_466 = arith.constant 8 : i32
          %add3A_467 = vector.broadcast %add3A_466 : i32 to vector<16xi32>
          %add3A_468 = arith.addi %get3A_375, %add3A_467 : vector<16xi32>
          %gather3A_469 = tpu.vector_load_idx %arg6[%add3A_366, %add3A_468] : memref<512x128xf32, #tpu.memory_space<vmem>>[vector<16xi32>, vector<16xi32>], vector<16xf32>,
          %add3A_470 = arith.constant 8 : i32
          %add3A_471 = vector.broadcast %add3A_470 : i32 to vector<16xi32>
          %add3A_472 = arith.addi %shift_left3A_260, %add3A_471 : vector<16xi32>
          %scatter3A_473 = arith.constant 0 : i32
          %scatter3A_474 = arith.constant 0 : i32
          %scatter3A_475 = tpu.memref_slice %run_scoped3A_10[%rem3A_252, %scatter3A_473, %scatter3A_474] : memref<2x64x128xf32, #tpu.memory_space<vmem>> -> memref<1x64x128xf32, #tpu.memory_space<vmem>>
          %scatter3A_476 = tpu.memref_squeeze %scatter3A_475 : memref<1x64x128xf32, #tpu.memory_space<vmem>> -> memref<64x128xf32, #tpu.memory_space<vmem>>
          tpu.vector_store_idx %scatter3A_476[%add3A_379, %add3A_472], %gather3A_469 : memref<64x128xf32, #tpu.memory_space<vmem>>[vector<16xi32>, vector<16xi32>], vector<16xf32>,
          %add3A_477 = arith.constant 9 : i32
          %add3A_478 = vector.broadcast %add3A_477 : i32 to vector<16xi32>
          %add3A_479 = arith.addi %get3A_375, %add3A_478 : vector<16xi32>
          %gather3A_480 = tpu.vector_load_idx %arg6[%add3A_366, %add3A_479] : memref<512x128xf32, #tpu.memory_space<vmem>>[vector<16xi32>, vector<16xi32>], vector<16xf32>,
          %add3A_481 = arith.constant 9 : i32
          %add3A_482 = vector.broadcast %add3A_481 : i32 to vector<16xi32>
          %add3A_483 = arith.addi %shift_left3A_260, %add3A_482 : vector<16xi32>
          %scatter3A_484 = arith.constant 0 : i32
          %scatter3A_485 = arith.constant 0 : i32
          %scatter3A_486 = tpu.memref_slice %run_scoped3A_10[%rem3A_252, %scatter3A_484, %scatter3A_485] : memref<2x64x128xf32, #tpu.memory_space<vmem>> -> memref<1x64x128xf32, #tpu.memory_space<vmem>>
          %scatter3A_487 = tpu.memref_squeeze %scatter3A_486 : memref<1x64x128xf32, #tpu.memory_space<vmem>> -> memref<64x128xf32, #tpu.memory_space<vmem>>
          tpu.vector_store_idx %scatter3A_487[%add3A_379, %add3A_483], %gather3A_480 : memref<64x128xf32, #tpu.memory_space<vmem>>[vector<16xi32>, vector<16xi32>], vector<16xf32>,
          %add3A_488 = arith.constant 10 : i32
          %add3A_489 = vector.broadcast %add3A_488 : i32 to vector<16xi32>
          %add3A_490 = arith.addi %get3A_375, %add3A_489 : vector<16xi32>
          %gather3A_491 = tpu.vector_load_idx %arg6[%add3A_366, %add3A_490] : memref<512x128xf32, #tpu.memory_space<vmem>>[vector<16xi32>, vector<16xi32>], vector<16xf32>,
          %add3A_492 = arith.constant 10 : i32
          %add3A_493 = vector.broadcast %add3A_492 : i32 to vector<16xi32>
          %add3A_494 = arith.addi %shift_left3A_260, %add3A_493 : vector<16xi32>
          %scatter3A_495 = arith.constant 0 : i32
          %scatter3A_496 = arith.constant 0 : i32
          %scatter3A_497 = tpu.memref_slice %run_scoped3A_10[%rem3A_252, %scatter3A_495, %scatter3A_496] : memref<2x64x128xf32, #tpu.memory_space<vmem>> -> memref<1x64x128xf32, #tpu.memory_space<vmem>>
          %scatter3A_498 = tpu.memref_squeeze %scatter3A_497 : memref<1x64x128xf32, #tpu.memory_space<vmem>> -> memref<64x128xf32, #tpu.memory_space<vmem>>
          tpu.vector_store_idx %scatter3A_498[%add3A_379, %add3A_494], %gather3A_491 : memref<64x128xf32, #tpu.memory_space<vmem>>[vector<16xi32>, vector<16xi32>], vector<16xf32>,
          %add3A_499 = arith.constant 11 : i32
          %add3A_500 = vector.broadcast %add3A_499 : i32 to vector<16xi32>
          %add3A_501 = arith.addi %get3A_375, %add3A_500 : vector<16xi32>
          %gather3A_502 = tpu.vector_load_idx %arg6[%add3A_366, %add3A_501] : memref<512x128xf32, #tpu.memory_space<vmem>>[vector<16xi32>, vector<16xi32>], vector<16xf32>,
          %add3A_503 = arith.constant 11 : i32
          %add3A_504 = vector.broadcast %add3A_503 : i32 to vector<16xi32>
          %add3A_505 = arith.addi %shift_left3A_260, %add3A_504 : vector<16xi32>
          %scatter3A_506 = arith.constant 0 : i32
          %scatter3A_507 = arith.constant 0 : i32
          %scatter3A_508 = tpu.memref_slice %run_scoped3A_10[%rem3A_252, %scatter3A_506, %scatter3A_507] : memref<2x64x128xf32, #tpu.memory_space<vmem>> -> memref<1x64x128xf32, #tpu.memory_space<vmem>>
          %scatter3A_509 = tpu.memref_squeeze %scatter3A_508 : memref<1x64x128xf32, #tpu.memory_space<vmem>> -> memref<64x128xf32, #tpu.memory_space<vmem>>
          tpu.vector_store_idx %scatter3A_509[%add3A_379, %add3A_505], %gather3A_502 : memref<64x128xf32, #tpu.memory_space<vmem>>[vector<16xi32>, vector<16xi32>], vector<16xf32>,
          %add3A_510 = arith.constant 12 : i32
          %add3A_511 = vector.broadcast %add3A_510 : i32 to vector<16xi32>
          %add3A_512 = arith.addi %get3A_375, %add3A_511 : vector<16xi32>
          %gather3A_513 = tpu.vector_load_idx %arg6[%add3A_366, %add3A_512] : memref<512x128xf32, #tpu.memory_space<vmem>>[vector<16xi32>, vector<16xi32>], vector<16xf32>,
          %add3A_514 = arith.constant 12 : i32
          %add3A_515 = vector.broadcast %add3A_514 : i32 to vector<16xi32>
          %add3A_516 = arith.addi %shift_left3A_260, %add3A_515 : vector<16xi32>
          %scatter3A_517 = arith.constant 0 : i32
          %scatter3A_518 = arith.constant 0 : i32
          %scatter3A_519 = tpu.memref_slice %run_scoped3A_10[%rem3A_252, %scatter3A_517, %scatter3A_518] : memref<2x64x128xf32, #tpu.memory_space<vmem>> -> memref<1x64x128xf32, #tpu.memory_space<vmem>>
          %scatter3A_520 = tpu.memref_squeeze %scatter3A_519 : memref<1x64x128xf32, #tpu.memory_space<vmem>> -> memref<64x128xf32, #tpu.memory_space<vmem>>
          tpu.vector_store_idx %scatter3A_520[%add3A_379, %add3A_516], %gather3A_513 : memref<64x128xf32, #tpu.memory_space<vmem>>[vector<16xi32>, vector<16xi32>], vector<16xf32>,
          %add3A_521 = arith.constant 13 : i32
          %add3A_522 = vector.broadcast %add3A_521 : i32 to vector<16xi32>
          %add3A_523 = arith.addi %get3A_375, %add3A_522 : vector<16xi32>
          %gather3A_524 = tpu.vector_load_idx %arg6[%add3A_366, %add3A_523] : memref<512x128xf32, #tpu.memory_space<vmem>>[vector<16xi32>, vector<16xi32>], vector<16xf32>,
          %add3A_525 = arith.constant 13 : i32
          %add3A_526 = vector.broadcast %add3A_525 : i32 to vector<16xi32>
          %add3A_527 = arith.addi %shift_left3A_260, %add3A_526 : vector<16xi32>
          %scatter3A_528 = arith.constant 0 : i32
          %scatter3A_529 = arith.constant 0 : i32
          %scatter3A_530 = tpu.memref_slice %run_scoped3A_10[%rem3A_252, %scatter3A_528, %scatter3A_529] : memref<2x64x128xf32, #tpu.memory_space<vmem>> -> memref<1x64x128xf32, #tpu.memory_space<vmem>>
          %scatter3A_531 = tpu.memref_squeeze %scatter3A_530 : memref<1x64x128xf32, #tpu.memory_space<vmem>> -> memref<64x128xf32, #tpu.memory_space<vmem>>
          tpu.vector_store_idx %scatter3A_531[%add3A_379, %add3A_527], %gather3A_524 : memref<64x128xf32, #tpu.memory_space<vmem>>[vector<16xi32>, vector<16xi32>], vector<16xf32>,
          %add3A_532 = arith.constant 14 : i32
          %add3A_533 = vector.broadcast %add3A_532 : i32 to vector<16xi32>
          %add3A_534 = arith.addi %get3A_375, %add3A_533 : vector<16xi32>
          %gather3A_535 = tpu.vector_load_idx %arg6[%add3A_366, %add3A_534] : memref<512x128xf32, #tpu.memory_space<vmem>>[vector<16xi32>, vector<16xi32>], vector<16xf32>,
          %add3A_536 = arith.constant 14 : i32
          %add3A_537 = vector.broadcast %add3A_536 : i32 to vector<16xi32>
          %add3A_538 = arith.addi %shift_left3A_260, %add3A_537 : vector<16xi32>
          %scatter3A_539 = arith.constant 0 : i32
          %scatter3A_540 = arith.constant 0 : i32
          %scatter3A_541 = tpu.memref_slice %run_scoped3A_10[%rem3A_252, %scatter3A_539, %scatter3A_540] : memref<2x64x128xf32, #tpu.memory_space<vmem>> -> memref<1x64x128xf32, #tpu.memory_space<vmem>>
          %scatter3A_542 = tpu.memref_squeeze %scatter3A_541 : memref<1x64x128xf32, #tpu.memory_space<vmem>> -> memref<64x128xf32, #tpu.memory_space<vmem>>
          tpu.vector_store_idx %scatter3A_542[%add3A_379, %add3A_538], %gather3A_535 : memref<64x128xf32, #tpu.memory_space<vmem>>[vector<16xi32>, vector<16xi32>], vector<16xf32>,
          %add3A_543 = arith.constant 15 : i32
          %add3A_544 = vector.broadcast %add3A_543 : i32 to vector<16xi32>
          %add3A_545 = arith.addi %get3A_375, %add3A_544 : vector<16xi32>
          %gather3A_546 = tpu.vector_load_idx %arg6[%add3A_366, %add3A_545] : memref<512x128xf32, #tpu.memory_space<vmem>>[vector<16xi32>, vector<16xi32>], vector<16xf32>,
          %add3A_547 = arith.constant 15 : i32
          %add3A_548 = vector.broadcast %add3A_547 : i32 to vector<16xi32>
          %add3A_549 = arith.addi %shift_left3A_260, %add3A_548 : vector<16xi32>
          %scatter3A_550 = arith.constant 0 : i32
          %scatter3A_551 = arith.constant 0 : i32
          %scatter3A_552 = tpu.memref_slice %run_scoped3A_10[%rem3A_252, %scatter3A_550, %scatter3A_551] : memref<2x64x128xf32, #tpu.memory_space<vmem>> -> memref<1x64x128xf32, #tpu.memory_space<vmem>>
          %scatter3A_553 = tpu.memref_squeeze %scatter3A_552 : memref<1x64x128xf32, #tpu.memory_space<vmem>> -> memref<64x128xf32, #tpu.memory_space<vmem>>
          tpu.vector_store_idx %scatter3A_553[%add3A_379, %add3A_549], %gather3A_546 : memref<64x128xf32, #tpu.memory_space<vmem>>[vector<16xi32>, vector<16xi32>], vector<16xf32>,
        }
        %scan3A_265 = arith.constant 32 : i32
        "tpu.trace_stop"() : () -> ()
        %ne3A_266 = arith.cmpi ne, %add3A_161, %add3A_179 : i32
        %or3A_267 = arith.constant false
        %or3A_268 = arith.ori %or3A_267, %ne3A_266 : i1
        %or3A_269 = arith.ori %or3A_268, %eq3A_160 : i1
        %convert_element_type3A_270 = arith.extui %or3A_269 : i1 to i32
        %cond3A_271 = arith.constant 0 : i32
        %cond3A_272 = arith.cmpi ne, %convert_element_type3A_270, %cond3A_271 : i32
        scf.if %cond3A_272 {
        } else {
        }
        %and3A_273 = arith.constant false
        %and3A_274 = arith.andi %or3A_269, %and3A_273 : i1
        %ne3A_275 = arith.cmpi ne, %add3A_161, %add3A_179 : i32
        %or3A_276 = arith.constant false
        %or3A_277 = arith.ori %or3A_276, %ne3A_275 : i1
        %or3A_278 = arith.ori %or3A_277, %eq3A_160 : i1
        %convert_element_type3A_279 = arith.extui %or3A_278 : i1 to i32
        %cond3A_280 = arith.constant 0 : i32
        %cond3A_281 = arith.cmpi ne, %convert_element_type3A_279, %cond3A_280 : i32
        scf.if %cond3A_281 {
        } else {
        }
        %and3A_282 = arith.constant false
        %and3A_283 = arith.andi %or3A_278, %and3A_282 : i1
        %ne3A_284 = arith.cmpi ne, %add3A_161, %add3A_179 : i32
        %or3A_285 = arith.constant false
        %or3A_286 = arith.ori %or3A_285, %ne3A_284 : i1
        %or3A_287 = arith.constant false
        %or3A_288 = arith.ori %or3A_286, %or3A_287 : i1
        %or3A_289 = arith.ori %or3A_288, %eq3A_160 : i1
        %convert_element_type3A_290 = arith.extui %or3A_289 : i1 to i32
        %cond3A_291 = arith.constant 0 : i32
        %cond3A_292 = arith.cmpi ne, %convert_element_type3A_290, %cond3A_291 : i32
        scf.if %cond3A_292 {
          "tpu.trace_start"() <{level = 10 : i32, message = "ep_copy_out"}> : () -> ()
          %rem3A_358 = arith.constant 2 : i32
          %rem3A_359 = arith.remui %scan3A_154, %rem3A_358 : i32
          %mul3A_360 = arith.constant 64 : i32
          %mul3A_361 = arith.muli %mul3A_360, %add3A_161 : i32
          %dma_start3A_362 = arith.constant 0 : i32
          %dma_start3A_363 = arith.constant 0 : i32
          %dma_start3A_364 = tpu.memref_slice %run_scoped3A_10[%rem3A_359, %dma_start3A_362, %dma_start3A_363] : memref<2x64x128xf32, #tpu.memory_space<vmem>> -> memref<1x64x128xf32, #tpu.memory_space<vmem>>
          %dma_start3A_365 = tpu.memref_squeeze %dma_start3A_364 : memref<1x64x128xf32, #tpu.memory_space<vmem>> -> memref<64x128xf32, #tpu.memory_space<vmem>>
          %dma_start3A_366 = arith.constant 0 : i32
          %dma_start3A_367 = tpu.memref_slice %arg5[%mul3A_361, %dma_start3A_366] : memref<409600x128xf32, #tpu.memory_space<hbm>> -> memref<64x128xf32, #tpu.memory_space<hbm>>
          %dma_start3A_368 = tpu.memref_slice %run_scoped3A_11[%rem3A_359] : memref<2x!tpu.dma_semaphore, #tpu.memory_space<semaphore_mem>> -> memref<1x!tpu.dma_semaphore, #tpu.memory_space<semaphore_mem>>
          %dma_start3A_369 = tpu.memref_squeeze %dma_start3A_368 : memref<1x!tpu.dma_semaphore, #tpu.memory_space<semaphore_mem>> -> memref<!tpu.dma_semaphore, #tpu.memory_space<semaphore_mem>>
          %dma_start3A_370 = arith.constant 0 : i32
          %dma_start3A_371 = tpu.memref_slice %arg5[%mul3A_361, %dma_start3A_370] : memref<409600x128xf32, #tpu.memory_space<hbm>> -> memref<64x128xf32, #tpu.memory_space<hbm>>
          %dma_start3A_372 = arith.constant 0 : i32
          %dma_start3A_373 = arith.constant 0 : i32
          %dma_start3A_374 = tpu.memref_slice %run_scoped3A_10[%rem3A_359, %dma_start3A_372, %dma_start3A_373] : memref<2x64x128xf32, #tpu.memory_space<vmem>> -> memref<1x64x128xf32, #tpu.memory_space<vmem>>
          %dma_start3A_375 = tpu.memref_squeeze %dma_start3A_374 : memref<1x64x128xf32, #tpu.memory_space<vmem>> -> memref<64x128xf32, #tpu.memory_space<vmem>>
          tpu.enqueue_dma source(%dma_start3A_375 : memref<64x128xf32, #tpu.memory_space<vmem>>) target(%dma_start3A_371 : memref<64x128xf32, #tpu.memory_space<hbm>>) target_semaphore(%dma_start3A_369 : memref<!tpu.dma_semaphore, #tpu.memory_space<semaphore_mem>>)
          "tpu.trace_stop"() : () -> ()
        } else {
        }
        %and3A_293 = arith.constant true
        %and3A_294 = arith.andi %or3A_289, %and3A_293 : i1
        %add3A_295 = arith.constant 1 : i32
        %add3A_296 = arith.addi %scan3A_154, %add3A_295 : i32
        %select_n3A_297 = arith.select %and3A_294, %add3A_296, %scan3A_154 : i32
        %ne3A_298 = arith.cmpi ne, %add3A_161, %add3A_170 : i32
        %or3A_299 = arith.constant false
        %or3A_300 = arith.ori %or3A_299, %ne3A_298 : i1
        %not3A_301 = arith.constant true
        %not3A_302 = arith.xori %eq3A_158, %not3A_301 : i1
        %and3A_303 = arith.andi %or3A_300, %not3A_302 : i1
        %convert_element_type3A_304 = arith.extui %and3A_303 : i1 to i32
        %cond3A_305 = arith.constant 0 : i32
        %cond3A_306 = arith.cmpi ne, %convert_element_type3A_304, %cond3A_305 : i32
        scf.if %cond3A_306 {
        } else {
        }
        %and3A_307 = arith.constant false
        %and3A_308 = arith.andi %and3A_303, %and3A_307 : i1
        %ne3A_309 = arith.cmpi ne, %add3A_161, %add3A_170 : i32
        %or3A_310 = arith.constant false
        %or3A_311 = arith.ori %or3A_310, %ne3A_309 : i1
        %not3A_312 = arith.constant true
        %not3A_313 = arith.xori %eq3A_158, %not3A_312 : i1
        %and3A_314 = arith.andi %or3A_311, %not3A_313 : i1
        %convert_element_type3A_315 = arith.extui %and3A_314 : i1 to i32
        %cond3A_316 = arith.constant 0 : i32
        %cond3A_317 = arith.cmpi ne, %convert_element_type3A_315, %cond3A_316 : i32
        scf.if %cond3A_317 {
        } else {
        }
        %and3A_318 = arith.constant false
        %and3A_319 = arith.andi %and3A_314, %and3A_318 : i1
        %ne3A_320 = arith.cmpi ne, %add3A_161, %add3A_170 : i32
        %or3A_321 = arith.constant false
        %or3A_322 = arith.ori %or3A_321, %ne3A_320 : i1
        %or3A_323 = arith.constant false
        %or3A_324 = arith.ori %or3A_322, %or3A_323 : i1
        %not3A_325 = arith.constant true
        %not3A_326 = arith.xori %eq3A_158, %not3A_325 : i1
        %and3A_327 = arith.andi %or3A_324, %not3A_326 : i1
        %convert_element_type3A_328 = arith.extui %and3A_327 : i1 to i32
        %cond3A_329 = arith.constant 0 : i32
        %cond3A_330 = arith.cmpi ne, %convert_element_type3A_328, %cond3A_329 : i32
        scf.if %cond3A_330 {
          "tpu.trace_start"() <{level = 10 : i32, message = "ep_wait_out"}> : () -> ()
          %rem3A_358 = arith.constant 2 : i32
          %rem3A_359 = arith.remui %scan3A_155, %rem3A_358 : i32
          %mul3A_360 = arith.constant 64 : i32
          %mul3A_361 = arith.muli %mul3A_360, %add3A_170 : i32
          %dma_wait3A_362 = arith.constant 0 : i32
          %dma_wait3A_363 = arith.constant 0 : i32
          %dma_wait3A_364 = tpu.memref_slice %run_scoped3A_10[%rem3A_359, %dma_wait3A_362, %dma_wait3A_363] : memref<2x64x128xf32, #tpu.memory_space<vmem>> -> memref<1x64x128xf32, #tpu.memory_space<vmem>>
          %dma_wait3A_365 = tpu.memref_squeeze %dma_wait3A_364 : memref<1x64x128xf32, #tpu.memory_space<vmem>> -> memref<64x128xf32, #tpu.memory_space<vmem>>
          %dma_wait3A_366 = arith.constant 0 : i32
          %dma_wait3A_367 = tpu.memref_slice %arg5[%mul3A_361, %dma_wait3A_366] : memref<409600x128xf32, #tpu.memory_space<hbm>> -> memref<64x128xf32, #tpu.memory_space<hbm>>
          %dma_wait3A_368 = tpu.memref_slice %run_scoped3A_11[%rem3A_359] : memref<2x!tpu.dma_semaphore, #tpu.memory_space<semaphore_mem>> -> memref<1x!tpu.dma_semaphore, #tpu.memory_space<semaphore_mem>>
          %dma_wait3A_369 = tpu.memref_squeeze %dma_wait3A_368 : memref<1x!tpu.dma_semaphore, #tpu.memory_space<semaphore_mem>> -> memref<!tpu.dma_semaphore, #tpu.memory_space<semaphore_mem>>
          %dma_wait3A_370 = arith.constant 0 : i32
          %dma_wait3A_371 = tpu.memref_slice %arg5[%mul3A_361, %dma_wait3A_370] : memref<409600x128xf32, #tpu.memory_space<hbm>> -> memref<64x128xf32, #tpu.memory_space<hbm>>
          %dma_wait3A_372 = arith.constant 0 : i32
          %dma_wait3A_373 = arith.constant 0 : i32
          %dma_wait3A_374 = tpu.memref_slice %run_scoped3A_10[%rem3A_359, %dma_wait3A_372, %dma_wait3A_373] : memref<2x64x128xf32, #tpu.memory_space<vmem>> -> memref<1x64x128xf32, #tpu.memory_space<vmem>>
          %dma_wait3A_375 = tpu.memref_squeeze %dma_wait3A_374 : memref<1x64x128xf32, #tpu.memory_space<vmem>> -> memref<64x128xf32, #tpu.memory_space<vmem>>
          tpu.wait_dma2 semaphore(%dma_wait3A_369 : memref<!tpu.dma_semaphore, #tpu.memory_space<semaphore_mem>>) src(%dma_wait3A_375 : memref<64x128xf32, #tpu.memory_space<vmem>>) dst(%dma_wait3A_371 : memref<64x128xf32, #tpu.memory_space<hbm>>)
          "tpu.trace_stop"() : () -> ()
        } else {
        }
        %and3A_331 = arith.constant true
        %and3A_332 = arith.andi %and3A_327, %and3A_331 : i1
        %add3A_333 = arith.constant 1 : i32
        %add3A_334 = arith.addi %scan3A_155, %add3A_333 : i32
        %select_n3A_335 = arith.select %and3A_332, %add3A_334, %scan3A_155 : i32
        %ne3A_336 = arith.cmpi ne, %add3A_161, %add3A_179 : i32
        %or3A_337 = arith.constant false
        %or3A_338 = arith.ori %or3A_337, %ne3A_336 : i1
        %or3A_339 = arith.ori %or3A_338, %eq3A_160 : i1
        %add3A_340 = arith.constant 1 : i32
        %add3A_341 = arith.addi %scan3A_151, %add3A_340 : i32
        %select_n3A_342 = arith.select %or3A_339, %add3A_341, %scan3A_151 : i32
        %ne3A_343 = arith.cmpi ne, %add3A_161, %add3A_179 : i32
        %or3A_344 = arith.constant false
        %or3A_345 = arith.ori %or3A_344, %ne3A_343 : i1
        %or3A_346 = arith.ori %or3A_345, %eq3A_160 : i1
        %add3A_347 = arith.constant 1 : i32
        %add3A_348 = arith.addi %scan3A_153, %add3A_347 : i32
        %select_n3A_349 = arith.select %or3A_346, %add3A_348, %scan3A_153 : i32
        %add3A_350 = arith.constant 1 : i32
        %add3A_351 = arith.addi %scan3A_156, %add3A_350 : i32
        %select_n3A_352 = arith.constant true
        %select_n3A_353 = arith.select %select_n3A_352, %add3A_351, %scan3A_156 : i32
        %eq3A_354 = arith.constant 200 : i32
        %eq3A_355 = arith.cmpi eq, %select_n3A_353, %eq3A_354 : i32
        %select_n3A_356 = arith.constant 0 : i32
        %select_n3A_357 = arith.select %eq3A_355, %select_n3A_356, %select_n3A_353 : i32
        scf.yield %select_n3A_197, %select_n3A_342, %select_n3A_213, %select_n3A_349, %select_n3A_297, %select_n3A_335, %select_n3A_357 : i32, i32, i32, i32, i32, i32, i32
      }
      %scan3A_96 = arith.constant 200 : i32
      %sub3A = arith.constant 1 : i32
      %sub3A_97 = arith.subi %scan3A_95#6, %sub3A : i32
      %select_n3A_98 = arith.constant true
      %select_n3A_99 = arith.select %select_n3A_98, %sub3A_97, %scan3A_95#6 : i32
      %eq3A_100 = arith.constant -1 : i32
      %eq3A_101 = arith.cmpi eq, %select_n3A_99, %eq3A_100 : i32
      %select_n3A_102 = arith.constant 199 : i32
      %select_n3A_103 = arith.select %eq3A_101, %select_n3A_102, %select_n3A_99 : i32
      %add3A_104 = arith.addi %select_n3A_103, %mul3A_6 : i32
      %sub3A_105 = arith.constant 1 : i32
      %sub3A_106 = arith.subi %select_n3A_103, %sub3A_105 : i32
      %select_n3A_107 = arith.constant true
      %select_n3A_108 = arith.select %select_n3A_107, %sub3A_106, %select_n3A_103 : i32
      %eq3A_109 = arith.constant -1 : i32
      %eq3A_110 = arith.cmpi eq, %select_n3A_108, %eq3A_109 : i32
      %select_n3A_111 = arith.constant 199 : i32
      %select_n3A_112 = arith.select %eq3A_110, %select_n3A_111, %select_n3A_108 : i32
      %add3A_113 = arith.addi %select_n3A_112, %mul3A_6 : i32
      %add3A_114 = arith.constant 1 : i32
      %add3A_115 = arith.addi %select_n3A_103, %add3A_114 : i32
      %select_n3A_116 = arith.constant true
      %select_n3A_117 = arith.select %select_n3A_116, %add3A_115, %select_n3A_103 : i32
      %eq3A_118 = arith.constant 200 : i32
      %eq3A_119 = arith.cmpi eq, %select_n3A_117, %eq3A_118 : i32
      %select_n3A_120 = arith.constant 0 : i32
      %select_n3A_121 = arith.select %eq3A_119, %select_n3A_120, %select_n3A_117 : i32
      %add3A_122 = arith.addi %select_n3A_121, %mul3A_6 : i32
      %add3A_123 = arith.constant 1 : i32
      %add3A_124 = arith.addi %select_n3A_121, %add3A_123 : i32
      %select_n3A_125 = arith.constant true
      %select_n3A_126 = arith.select %select_n3A_125, %add3A_124, %select_n3A_121 : i32
      %eq3A_127 = arith.constant 200 : i32
      %eq3A_128 = arith.cmpi eq, %select_n3A_126, %eq3A_127 : i32
      %select_n3A_129 = arith.constant 0 : i32
      %select_n3A_130 = arith.select %eq3A_128, %select_n3A_129, %select_n3A_126 : i32
      %add3A_131 = arith.addi %select_n3A_130, %mul3A_6 : i32
      "tpu.trace_start"() <{level = 10 : i32, message = "ep_finalize"}> : () -> ()
      %rem3A_132 = arith.constant 2 : i32
      %rem3A_133 = arith.remui %scan3A_95#5, %rem3A_132 : i32
      %mul3A_134 = arith.constant 64 : i32
      %mul3A_135 = arith.muli %mul3A_134, %add3A_104 : i32
      %dma_wait3A = arith.constant 0 : i32
      %dma_wait3A_136 = arith.constant 0 : i32
      %dma_wait3A_137 = tpu.memref_slice %run_scoped3A_10[%rem3A_133, %dma_wait3A, %dma_wait3A_136] : memref<2x64x128xf32, #tpu.memory_space<vmem>> -> memref<1x64x128xf32, #tpu.memory_space<vmem>>
      %dma_wait3A_138 = tpu.memref_squeeze %dma_wait3A_137 : memref<1x64x128xf32, #tpu.memory_space<vmem>> -> memref<64x128xf32, #tpu.memory_space<vmem>>
      %dma_wait3A_139 = arith.constant 0 : i32
      %dma_wait3A_140 = tpu.memref_slice %arg5[%mul3A_135, %dma_wait3A_139] : memref<409600x128xf32, #tpu.memory_space<hbm>> -> memref<64x128xf32, #tpu.memory_space<hbm>>
      %dma_wait3A_141 = tpu.memref_slice %run_scoped3A_11[%rem3A_133] : memref<2x!tpu.dma_semaphore, #tpu.memory_space<semaphore_mem>> -> memref<1x!tpu.dma_semaphore, #tpu.memory_space<semaphore_mem>>
      %dma_wait3A_142 = tpu.memref_squeeze %dma_wait3A_141 : memref<1x!tpu.dma_semaphore, #tpu.memory_space<semaphore_mem>> -> memref<!tpu.dma_semaphore, #tpu.memory_space<semaphore_mem>>
      %dma_wait3A_143 = arith.constant 0 : i32
      %dma_wait3A_144 = tpu.memref_slice %arg5[%mul3A_135, %dma_wait3A_143] : memref<409600x128xf32, #tpu.memory_space<hbm>> -> memref<64x128xf32, #tpu.memory_space<hbm>>
      %dma_wait3A_145 = arith.constant 0 : i32
      %dma_wait3A_146 = arith.constant 0 : i32
      %dma_wait3A_147 = tpu.memref_slice %run_scoped3A_10[%rem3A_133, %dma_wait3A_145, %dma_wait3A_146] : memref<2x64x128xf32, #tpu.memory_space<vmem>> -> memref<1x64x128xf32, #tpu.memory_space<vmem>>
      %dma_wait3A_148 = tpu.memref_squeeze %dma_wait3A_147 : memref<1x64x128xf32, #tpu.memory_space<vmem>> -> memref<64x128xf32, #tpu.memory_space<vmem>>
      tpu.wait_dma2 semaphore(%dma_wait3A_142 : memref<!tpu.dma_semaphore, #tpu.memory_space<semaphore_mem>>) src(%dma_wait3A_148 : memref<64x128xf32, #tpu.memory_space<vmem>>) dst(%dma_wait3A_144 : memref<64x128xf32, #tpu.memory_space<hbm>>)
      "tpu.trace_stop"() : () -> ()
      tpu.yield
    }) : () -> ()
    return
  }
}

</mosaic_0001>

<sc_bundles>
// kernel: kernel.3.cloned.1.call-start
scs
__scs_entry_jumppad:
0x0: {  	(pc) =	sbr.rel $0x88, $3  }
0x1: {  	(tag) =	ssettag $0x0;
	lr =	simm.s32 $0x1  }
0x2: {  	[smem:$0x3F9F] =	sst lr;
	_ =	strace $0xD0000000  }
0x3: {  	_ = 	snop  }
0x4: {  	_ = 	snop  }
0x5: {  	_ = 	snop  }
0x6: {  	_ = 	snop  }
0x7: {  	_ = 	snop  }
__scs_overlays_trampoline_lowered:
0x8: {  	[smem:$0x3FAE] =	sst s0  }
0x9: {  	[smem:$0x3FAF] =	sst s1  }
0xa: {  	[smem:$0x3FB0] =	sst s2  }
0xb: {  	[smem:$0x3FB1] =	sst s3  }
0xc: {  	[smem:$0x3FB2] =	sst s4  }
0xd: {  	[smem:$0x3FB3] =	sst s5  }
0xe: {  	[smem:$0x3FB4] =	sst s6  }
0xf: {  	[smem:$0x3FB5] =	sst s7  }
0x10: {  	[smem:$0x3FB6] =	sst s8  }
0x11: {  	[smem:$0x3FB7] =	sst s9;
	s0 =	simm.s32 @!p0 $0x0  }
0x12: {  	s1 =	sld [smem:$0x3F9D];
	s0 =	simm.s32 @p0 $0x1  }
0x13: {  	[smem:$0x3FB8] =	sst s0;
	s0 =	simm.s32 @!p1 $0x0  }
0x14: {  	s2 =	sld [smem:$0x3F9C];
	s0 =	simm.s32 @p1 $0x1  }
0x15: {  	[smem:$0x3FB9] =	sst s0;
	s0 =	simm.s32 @!p2 $0x0  }
0x16: {  	s3 =	sld [smem:$0x3FDB];
	s0 =	simm.s32 @p2 $0x1  }
0x17: {  	s4 =	simm.s32 $0x1BF5;
	[smem:$0x3FBB] =	sst s0  }
0x18: {  	s0 =	sld [smem:$0x3F9E];
	_ =	swait.ge [sflag:s4], $0x0  }
0x19: {  	s7 =	sld [smem:$0x3F9F]  }
0x1a: {  	s8 =	sadd.s32 $0xFFFFE003, lr  }
0x1b: {  	s9 =	sadd.s32 $0xFFFFFEF7, lr;
	s5 =	simm.s32 $0xFFFFFFFF;
	p2 =	slt.u32 s8, $0xFFFFF086  }
0x1c: {  	p1 =	slt.u32 s9, $0xF7A;
	s5 =	simm.s32 @!p2 $0x0  }
0x1d: {  	s5 =	simm.s32 @p1 $0x1;
	p0 =	seq.s32 s7, s2  }
0x1e: {  	s7 =	smul.u32 @!p0 $0xF7A, s2;
	p2 =	seq.s32 @!p0 s5, $0x0  }
0x1f: {  	s9 =	smul.u32 $0xF7A, s1;
	s8 =	simm.s32 @!p0 $0x1BF5;
	p2 =	por !p2, p0  }
0x20: {  	[sflag:s8] =	ssyncset.s32 @!p0 $0xFFFFF086;
	s6 =	sadd.s32 @!p0 s3, s7;
	s7 =	simm.s32 @!p0 $0x108  }
0x21: {  	s3 =	sadd.s32 s3, s9;
	s6 =	sadd.s32 @!p0 $0x88, s6;
	s7 =	simm.s32 @p2 $0x1082  }
0x22: {  	[simem:s7], [sflag:s8] =	dma.local @!p0 [hbm:s6], $0xF7A  }
0x23: {  	s9 =	sor.u32 $0xD0000000, s2;
	s6 =	simm.s32 $0x108;
	_ =	swait.ge @!p0 [sflag:s8], $0x0  }
0x24: {  	s3 =	sadd.s32 $0x88, s3;
	s6 =	simm.s32 @!p1 $0x1082;
	[sflag:s4] =	ssyncset.s32 $0xFFFFF086  }
0x25: {  	[simem:s6], [sflag:s4] =	dma.local [hbm:s3], $0xF7A  }
0x26: {  	[smem:$0x3F9F] =	sst s1;
	(tag) =	ssettag s2;
	_ =	strace s9  }
0x27: {  	s1 =	sld [smem:$0x3FAF]  }
0x28: {  	s2 =	sld [smem:$0x3FB0]  }
0x29: {  	s4 =	sld [smem:$0x3FB2]  }
0x2a: {  	p0 =	seq.s32 s5, $0x0;
	s5 =	sld [smem:$0x3FB3]  }
0x2b: {  	s6 =	sld [smem:$0x3FB4]  }
0x2c: {  	s7 =	sld [smem:$0x3FB5]  }
0x2d: {  	s3 =	simm.s32 $0x108;
	s8 =	sld [smem:$0x3FB6]  }
0x2e: {  	s3 =	simm.s32 @!p0 $0x1082;
	s9 =	sld [smem:$0x3FB7]  }
0x2f: {  	lr =	sadd.s32 s0, s3;
	s0 =	sld [smem:$0x3FAE]  }
0x30: {  	s3 =	sld [smem:$0x3FB1]  }
0x31: {  	[smem:$0x3FBA] =	sst s10  }
0x32: {  	s10 =	sld [smem:$0x3FB8];
	_ =	sdelay $0x3  }
0x33: {  	p0 =	seq.s32 s10, $0x1;
	s10 =	sld [smem:$0x3FBA];
	_ =	sdelay $0x3  }
0x34: {  	[smem:$0x3FBA] =	sst s10  }
0x35: {  	s10 =	sld [smem:$0x3FB9];
	_ =	sdelay $0x3  }
0x36: {  	p1 =	seq.s32 s10, $0x1;
	s10 =	sld [smem:$0x3FBA];
	_ =	sdelay $0x3  }
0x37: {  	[smem:$0x3FBA] =	sst s10  }
0x38: {  	s10 =	sld [smem:$0x3FBB]  }
0x39: {  	_ = 	snop;
	(pc) =	sbr.ind lr, $3  }
0x3a: {  	_ = 	snop  }
0x3b: {  	_ = 	snop  }
0x3c: {  	p2 =	seq.s32 s10, $0x1;
	s10 =	sld [smem:$0x3FBA]  }
0x3d: {  	_ =	shalt  }
0x3e: {  	_ =	shalt  }
0x3f: {  	_ =	shalt  }
0x40: {  	_ =	shalt  }
0x41: {  	_ =	shalt  }
0x42: {  	_ =	shalt  }
0x43: {  	_ =	shalt  }
0x44: {  	_ =	shalt  }
0x45: {  	_ =	shalt  }
0x46: {  	_ =	shalt  }
0x47: {  	_ =	shalt  }
0x48: {  	_ =	shalt  }
0x49: {  	_ =	shalt  }
0x4a: {  	_ =	shalt  }
0x4b: {  	_ =	shalt  }
0x4c: {  	_ =	shalt  }
0x4d: {  	_ =	shalt  }
0x4e: {  	_ =	shalt  }
0x4f: {  	_ =	shalt  }
0x50: {  	_ =	shalt  }
0x51: {  	_ =	shalt  }
0x52: {  	_ =	shalt  }
0x53: {  	_ =	shalt  }
0x54: {  	_ =	shalt  }
0x55: {  	_ =	shalt  }
0x56: {  	_ =	shalt  }
0x57: {  	_ =	shalt  }
0x58: {  	_ =	shalt  }
0x59: {  	_ =	shalt  }
0x5a: {  	_ =	shalt  }
0x5b: {  	_ =	shalt  }
0x5c: {  	_ =	shalt  }
0x5d: {  	_ =	shalt  }
0x5e: {  	_ =	shalt  }
0x5f: {  	_ =	shalt  }
0x60: {  	_ =	shalt  }
0x61: {  	_ =	shalt  }
0x62: {  	_ =	shalt  }
0x63: {  	_ =	shalt  }
0x64: {  	_ =	shalt  }
0x65: {  	_ =	shalt  }
0x66: {  	_ =	shalt  }
0x67: {  	_ =	shalt  }
0x68: {  	_ =	shalt  }
0x69: {  	_ =	shalt  }
0x6a: {  	_ =	shalt  }
0x6b: {  	_ =	shalt  }
0x6c: {  	_ =	shalt  }
0x6d: {  	_ =	shalt  }
0x6e: {  	_ =	shalt  }
0x6f: {  	_ =	shalt  }
0x70: {  	_ =	shalt  }
0x71: {  	_ =	shalt  }
0x72: {  	_ =	shalt  }
0x73: {  	_ =	shalt  }
0x74: {  	_ =	shalt  }
0x75: {  	_ =	shalt  }
0x76: {  	_ =	shalt  }
0x77: {  	_ =	shalt  }
0x78: {  	_ =	shalt  }
0x79: {  	_ =	shalt  }
0x7a: {  	_ =	shalt  }
0x7b: {  	_ =	shalt  }
0x7c: {  	_ =	shalt  }
0x7d: {  	_ =	shalt  }
0x7e: {  	_ =	shalt  }
0x7f: {  	_ =	shalt  }
0x80: {  	_ =	shalt  }
0x81: {  	_ =	shalt  }
0x82: {  	_ =	shalt  }
0x83: {  	_ =	shalt  }
0x84: {  	_ =	shalt  }
0x85: {  	_ =	shalt  }
0x86: {  	_ =	shalt  }
0x87: {  	_ =	shalt  }
.Lfunc_end0:
.L_simem_size_0:
called_computation.1_lowered:
.L_overlay_start_0:
0x88: {  	s2 =	sld [smem:$0x3FD9]  }
0x89: {  	s3 =	sld [smem:$0x3FFE];
	_ =	sdelay $0x1  }
0x8a: {  	s1 =	srdreg.scid  }
0x8b: {  	s0 =	sand.u32 $0x1, s1  }
0x8c: {  	s17 =	sshll.u32 s0, $0xA;
	s2 =	sadd.s32 s3, s2  }
0x8d: {  	s2 =	sadd.s32 s2, s17  }
0x8e: {  	[smem:$0x3FC6] =	sst s2  }
0x8f: {  	_ = 	snop  }
0x90: {  	s2 =	sld [smem:$0x3FD0];
	(tm) =	ssettm $0x1  }
0x91: {  	s18 =	sld [smem:$0x3FFB];
	_ =	sdelay $0x3  }
0x92: {  	_ =	strace s18  }
0x93: {  	s3 =	sld [smem:$0x3FFC];
	_ =	sdelay $0x3  }
0x94: {  	_ =	strace s3  }
0x95: {  	s3 =	sld [smem:$0x3FFD];
	_ =	sdelay $0x3  }
0x96: {  	_ =	strace s3  }
0x97: {  	_ =	strace $0x8FFFFFFF  }
0x98: {  	s19 =	sld [smem:$0x3FDB];
	_ =	sdelay $0x1  }
0x99: {  	s4 =	simm.s32 $_scs_section_size  }
0x9a: {  	s5 =	simm.s32 $_size__tile_overlayer_lowered;
	s6 =	simm.s32 $_tile_overlayer_lowered  }
0x9b: {  	s22 =	simm.s32 $0x1BFF;
	s21 =	sshll.u32 s6, $0x1;
	s3 =	sadd.s32 s4, s19  }
0x9c: {  	s7 =	simm.s32 $0x0;
	s20 =	sshll.u32 s5, $0x1;
	s5 =	sadd.s32 s21, s3  }
0x9d: {  	[timem:s7], [sflag:s22] =	dma.local [hbm:s5], s20  }
0x9e: {  	_ =	swait.ge [sflag:s22], s20  }
0x9f: {  	s4 =	ssub.s32 $0x0, s20;
	[sflag:s22] =	ssyncset.done $0x0  }
0xa0: {  	[sflag:s22] =	ssyncadd.s32 s4;
	_ =	sdelay $0x1  }
0xa1: {  	s23 =	simm.s32 $0x1B8B  }
0xa2: {  	_ =	swait.ge [sflag:s23], $0x1  }
0xa3: {  	[sflag:s23] =	ssyncset.done $0x0  }
0xa4: {  	s25 =	simm.s32 $0x1B8E;
	s24 =	sld [smem:$0x3FFE];
	[sflag:s23] =	ssyncadd.s32 $0xFFFFFFFF  }
0xa5: {  	s26 =	simm.s32 $execute0_lowered;
	[smem:$0x3FD2] =	sst s25  }
0xa6: {  	s5 =	sshll.u32 s26, $0x1;
	_ =	strace $0x80000046;
	[dreg:$0x1] =	wrdreg $0xFFFFFFFF  }
0xa7: {  	s28 =	simm.s32 $_size_execute0_lowered;
	s3 =	sadd.s32 s3, s5;
	[dreg:$0x0] =	wrdreg $0x0  }
0xa8: {  	s5 =	sshll.u32 s28, $0x1;
	[dreg:$0x2] =	wrdreg s3  }
0xa9: {  	[dreg:$0x3] =	wrdreg s5  }
0xaa: {  	[dreg:$0x4] =	wrdreg $0xC0  }
0xab: {  	_ =	task [dreg:s7], $0x5FFFF  }
0xac: {  	[dreg:$0x1] =	wrdreg $0xFFFFFFFF  }
0xad: {  	[dreg:$0x0] =	wrdreg $0x60  }
0xae: {  	[dreg:$0x2] =	wrdreg s24  }
0xaf: {  	[dreg:$0x3] =	wrdreg s2  }
0xb0: {  	[dreg:$0x4] =	wrdreg $0x9  }
0xb1: {  	_ =	task.clear_ibuf [dreg:s7], $0x5FFFF;
	_ =	strace $0x90000046  }
0xb2: {  	s29 =	simm.s32 $0x9;
	_ =	strace $0x80000051  }
0xb3: {  	_ =	swait.ge [sflag:s29], $0x1  }
0xb4: {  	[sflag:s29] =	ssyncadd.s32 $0xFFFFFFFF  }
0xb5: {  	_ =	strace $0x90000051  }
0xb6: {  	_ =	sfence  }
0xb7: {  	s30 =	sld [smem:$0x0];
	_ =	sdelay $0x2  }
0xb8: {  	s31 =	sshll.u32 s1, $0xD;
	s1 =	sshrl.u32 s1, $0x2  }
0xb9: {  	s3 =	sand.u32 $0x4000, s31;
	s1 =	sadd.s32 s1, s30  }
0xba: {  	s0 =	sor.u32 s3, s0;
	s1 =	sshll.u32 s1, $0x11  }
0xbb: {  	s0 =	sor.u32 s1, s0  }
0xbc: {  	s0 =	sadd.s32 $0x8F2B, s0  }
0xbd: {  	[sflag:s0] =	ssyncadd.remote.s32 $0x1  }
0xbe: {  	_ =	sfence.sel $0xFFFF  }
0xbf: {  	[dreg:$0x0] =	wrdreg $0xFFFFFFFF;
	(pc) =	sbr.abs _section_cstart, $3  }
0xc0: {  	[dreg:$0x1] =	wrdreg $0xFFFFFFFF  }
0xc1: {  	_ =	task.clear_ibuf [dreg:s7], $0x2FFFF;
	_ =	strace $0x9FFFFFFF  }
0xc2: {  	(tm) =	ssettm $0x7FFFFFFF  }
0xc3: {  	_ =	shalt  }
tec
execute0_lowered:
.L_overlay_start_1:
0x0: {  	(tag) =	ssettag $0x1  }
0x1: {  	s0 =	rddreg [dreg:$0x0]  }
0x2: {  	s1 =	rddreg [dreg:$0x1];
	v1 =	vlaneseq.u32  }
0x3: {  	s2 =	srdreg.scid;
	s3 =	simm.s32 $0x0;
	s30 =	stileid.u32;
	v0 =	vand.u32 $0x7, v1  }
0x4: {  	s11 =	simm.s32 $0x10000;
	s12 =	simm.s32 $0x10400;
	s13 =	simm.s32 $0x200;
	v2 =	vshrl.u32 v1, $0x3;
	v0 =	vmul.u32 $0x10, v0  }
0x5: {  	s14 =	simm.s32 $0x7;
	s15 =	simm.s32 $0x0;
	s4 =	sand.u32 $0x1, s2;
	v1 =	vmul.u32 $0x80, v1;
	v2 =	vmul.u32 $0x80, v2  }
0x6: {  	[smem:$0x7FF] =	sst s3;
	s6 =	sadd.s32 $0xA00, s0;
	s5 =	sshll.u32 s4, $0x4;
	v3 =	vor.u32 $0x1, v0;
	v4 =	vor.u32 $0x2, v0;
	v5 =	vor.u32 $0x3, v0  }
0x7: {  	_ =	strace $0x80000047;
	s7 =	ssub.s32 $0x2, s4;
	s8 =	sor.u32 s30, s5;
	v6 =	vor.u32 $0x4, v0;
	v7 =	vor.u32 $0x5, v0;
	v8 =	vor.u32 $0x6, v0  }
0x8: {  	s4 =	sadd.s32 $0x100AE00, s0;
	s9 =	sshrl.u32 s7, $0x1;
	s10 =	smul.u32 $0x3200, s8;
	v9 =	vor.u32 $0x7, v0;
	v10 =	vor.u32 $0x8, v0;
	v11 =	vor.u32 $0x9, v0  }
0x9: {  	s5 =	sadd.s32 $0x64A00, s0;
	s31 =	ssub.s32 s7, s9;
	s7 =	smul.u32 $0xC8, s8;
	v12 =	vor.u32 $0xA, v0;
	v13 =	vor.u32 $0xB, v0;
	v14 =	vor.u32 $0xC, v0  }
0xa: {  	v15 =	vor.u32 $0xD, v0;
	v16 =	vor.u32 $0xE, v0;
	v17 =	vor.u32 $0xF, v0;
	s8 =	sadd.s32 s5, s10;
	s9 =	sadd.s32 s6, s10;
	s10 =	smax.u32 s31, $0x1  }
.LBB2_1:
0xb: {  	_ =	strace $0x80000048  }
0xc: {  	s24 =	simm.s32 $0x0;
	s16 =	simm.s32 $0x0;
	s17 =	simm.s32 $0x0  }
0xd: {  	[tilespmem:s11], [sflag:$0x1] =	stream.linear.gather [hbm4b:s8+s3], $0x200, $0x200038;
	[tilespmem:$0x14800] =	vst v63  }
0xe: {  	s18 =	simm.s32 $0x0;
	s19 =	simm.s32 $0x1;
	s20 =	simm.s32 $0x0  }
0xf: {  	[tilespmem:s12], [sflag:$0x3] =	stream.linear.gather [hbm4b:s9+s3], $0x200, $0x200038;
	[tilespmem:$0x14800] =	vst v63  }
0x10: {  	s21 =	simm.s32 $0x1;
	s22 =	simm.s32 $0x0;
	_ =	strace $0x90000048  }
.LBB2_2:
0x11: {  	s23 =	sadd.s32 $0x1, s24  }
0x12: {  	p0 =	seq.s32 s23, $0xC8  }
0x13: {  	s23 =	simm.s32 @p0 $0x0;
	p0 =	seq.s32 s22, $0xC7  }
0x14: {  	p1 =	seq.s32 @!p0 s24, s23  }
0x15: {  	p2 =	por p1, p0  }
0x16: {  	s25 =	sadd.s32 @!p2 s7, s23  }
0x17: {  	s26 =	sand.u32 @!p2 $0x1, s21;
	_ =	strace @!p2 $0x80000049;
	s25 =	sshll.u32 @!p2 s25, $0x6  }
0x18: {  	s30 =	simm.s32 @!p2 $0x0;
	s28 =	sshll.u32 @!p2 s26, $0x9;
	s25 =	sand.u32 @!p2 $0x1FFFFFC0, s25  }
0x19: {  	s26 =	sadd.s32 @!p2 $0x1, s26;
	s28 =	sor.u32 @!p2 $0x10000, s28;
	s29 =	sadd.s32 @!p2 s5, s25  }
0x1a: {  	[tilespmem:s28], [sflag:s26] =	stream.linear.gather @!p2 [hbm4b:s29+s30], $0x200, $0x200038;
	[tilespmem:$0x14800] =	vst v63  }
0x1b: {  	s26 =	sand.u32 @!p2 $0x1, s19  }
0x1c: {  	s25 =	sadd.s32 @!p2 s6, s25;
	_ =	strace @!p2 $0x90000049;
	s28 =	sshll.u32 @!p2 s26, $0x9  }
0x1d: {  	s26 =	sadd.s32 @!p2 $0x3, s26;
	_ =	strace @!p2 $0x8000004A;
	s28 =	sor.u32 @!p2 $0x10400, s28  }
0x1e: {  	[tilespmem:s28], [sflag:s26] =	stream.linear.gather @!p2 [hbm4b:s25+s30], $0x200, $0x200038;
	[tilespmem:$0x14800] =	vst v63  }
0x1f: {  	s26 =	sand.u32 $0x1, s20;
	_ =	strace @!p2 $0x9000004A  }
0x20: {  	s25 =	sadd.s32 $0x1, s26;
	_ =	strace $0x8000004B  }
0x21: {  	_ =	swait.ge [sflag:s25], $0x200  }
0x22: {  	[sflag:s25] =	ssyncset.done $0x0  }
0x23: {  	[sflag:s25] =	ssyncadd.s32 $0xFFFFFE00  }
0x24: {  	s2 =	sand.u32 $0x1, s18;
	_ =	strace $0x9000004B  }
0x25: {  	s25 =	sadd.s32 $0x3, s2;
	_ =	strace $0x8000004C  }
0x26: {  	_ =	swait.ge [sflag:s25], $0x200  }
0x27: {  	[sflag:s25] =	ssyncset.done $0x0  }
0x28: {  	s26 =	sshll.u32 s20, $0x9;
	[sflag:s25] =	ssyncadd.s32 $0xFFFFFE00  }
0x29: {  	s25 =	sand.u32 $0x200, s26;
	_ =	strace $0x9000004C  }
0x2a: {  	s2 =	sor.u32 $0x10000, s25;
	s25 =	simm.s32 $0x0;
	_ =	strace $0x8000004D  }
0x2b: {  	[tilespmem:s25], [sflag:$0x7] =	stream.indirect.gather [hbm4b:s4+s13], $0x80, s2, s13, $0x2000b8;
	[tilespmem:$0x14800] =	vst v63  }
0x2c: {  	s2 =	sshll.u32 s18, $0x9;
	_ =	swait.ge [sflag:s14], $0x10000  }
0x2d: {  	s26 =	sand.u32 $0x200, s2;
	[sflag:s14] =	ssyncset.done $0x0  }
0x2e: {  	s26 =	sor.u32 $0x10400, s26;
	[sflag:s14] =	ssyncadd.s32 $0xFFFF0000  }
0x2f: {  	v19 =	vld [tilespmem:s26+$0x0];
	_ =	sdelay $0x2  }
0x30: {  	v18 =	vmov s25  }
0x31: {  	v18 =	vshll.u32 v18, $0x7  }
0x32: {  	v21 =	vor.u32 v1, v18;
	v20 =	vand.u32 $0xFFFFFF80, v19  }
0x33: {  	v18 =	vand.u32 $0x7F, v19;
	v20 =	vadd.s32 v21, v20  }
0x34: {  	v20 =	vor.u32 v18, v20;
	_ =	sdelay $0x1  }
0x35: {  	v18 =	vmov s25  }
0x36: {  	v22 =	vadd.s32 $0x1, v19;
	v18 =	vshll.u32 v18, $0x7  }
0x37: {  	v23 =	vand.u32 $0xFFFFFF80, v22;
	v18 =	vor.u32 v2, v18  }
0x38: {  	v22 =	vand.u32 $0x7F, v22;
	v23 =	vadd.s32 v21, v23;
	v24 =	vor.u32 v0, v18;
	v20 =	vld.idx.msk [tilespmem:v20+s3+$0x0], $0xffff  }
0x39: {  	v22 =	vor.u32 v22, v23  }
0x3a: {  	s29 =	sand.u32 $0x1, s17  }
0x3b: {  	s28 =	sshll.u32 s29, $0xD  }
0x3c: {  	s28 =	sor.u32 $0x10800, s28;
	v54 =	vadd.s32 $0x2, v19  }
0x3d: {  	v25 =	vand.u32 $0xFFFFFF80, v54;
	[tilespmem:v24+s28+$0x0] =	vst.idx.msk $0xffff, v20  }
0x3e: {  	v23 =	vand.u32 $0x7F, v54;
	v55 =	vor.u32 v3, v18;
	v20 =	vadd.s32 v21, v25;
	v22 =	vld.idx.msk [tilespmem:v22+s3+$0x0], $0xffff  }
0x3f: {  	v20 =	vor.u32 v23, v20;
	_ =	sdelay $0x2  }
0x40: {  	v56 =	vadd.s32 $0x3, v19  }
0x41: {  	v57 =	vand.u32 $0xFFFFFF80, v56;
	[tilespmem:v55+s28+$0x0] =	vst.idx.msk $0xffff, v22  }
0x42: {  	v58 =	vadd.s32 v21, v57;
	v59 =	vor.u32 v4, v18;
	v23 =	vand.u32 $0x7F, v56;
	v20 =	vld.idx.msk [tilespmem:v20+s3+$0x0], $0xffff  }
0x43: {  	v22 =	vor.u32 v23, v58;
	_ =	sdelay $0x2  }
0x44: {  	v60 =	vadd.s32 $0x4, v19  }
0x45: {  	v61 =	vand.u32 $0xFFFFFF80, v60;
	[tilespmem:v59+s28+$0x0] =	vst.idx.msk $0xffff, v20  }
0x46: {  	v62 =	vor.u32 v5, v18;
	v23 =	vand.u32 $0x7F, v60;
	v20 =	vadd.s32 v21, v61;
	v22 =	vld.idx.msk [tilespmem:v22+s3+$0x0], $0xffff  }
0x47: {  	v20 =	vor.u32 v23, v20;
	_ =	sdelay $0x2  }
0x48: {  	v63 =	vadd.s32 $0x5, v19  }
0x49: {  	v28 =	vand.u32 $0xFFFFFF80, v63;
	[tilespmem:v62+s28+$0x0] =	vst.idx.msk $0xffff, v22  }
0x4a: {  	v29 =	vadd.s32 v21, v28;
	v30 =	vor.u32 v6, v18;
	v23 =	vand.u32 $0x7F, v63;
	v20 =	vld.idx.msk [tilespmem:v20+s3+$0x0], $0xffff  }
0x4b: {  	v22 =	vor.u32 v23, v29;
	_ =	sdelay $0x2  }
0x4c: {  	v31 =	vadd.s32 $0x6, v19  }
0x4d: {  	v32 =	vand.u32 $0xFFFFFF80, v31;
	[tilespmem:v30+s28+$0x0] =	vst.idx.msk $0xffff, v20  }
0x4e: {  	v33 =	vor.u32 v7, v18;
	v23 =	vand.u32 $0x7F, v31;
	v20 =	vadd.s32 v21, v32;
	v22 =	vld.idx.msk [tilespmem:v22+s3+$0x0], $0xffff  }
0x4f: {  	v20 =	vor.u32 v23, v20;
	_ =	sdelay $0x2  }
0x50: {  	v34 =	vadd.s32 $0x7, v19  }
0x51: {  	v35 =	vand.u32 $0xFFFFFF80, v34;
	[tilespmem:v33+s28+$0x0] =	vst.idx.msk $0xffff, v22  }
0x52: {  	v36 =	vadd.s32 v21, v35;
	v37 =	vor.u32 v8, v18;
	v23 =	vand.u32 $0x7F, v34;
	v20 =	vld.idx.msk [tilespmem:v20+s3+$0x0], $0xffff  }
0x53: {  	v22 =	vor.u32 v23, v36;
	_ =	sdelay $0x2  }
0x54: {  	v38 =	vadd.s32 $0x8, v19  }
0x55: {  	v39 =	vand.u32 $0xFFFFFF80, v38;
	[tilespmem:v37+s28+$0x0] =	vst.idx.msk $0xffff, v20  }
0x56: {  	v40 =	vor.u32 v9, v18;
	v23 =	vand.u32 $0x7F, v38;
	v20 =	vadd.s32 v21, v39;
	v22 =	vld.idx.msk [tilespmem:v22+s3+$0x0], $0xffff  }
0x57: {  	v20 =	vor.u32 v23, v20;
	_ =	sdelay $0x2  }
0x58: {  	v41 =	vadd.s32 $0x9, v19  }
0x59: {  	v42 =	vand.u32 $0xFFFFFF80, v41;
	[tilespmem:v40+s28+$0x0] =	vst.idx.msk $0xffff, v22  }
0x5a: {  	v43 =	vadd.s32 v21, v42;
	v44 =	vor.u32 v10, v18;
	v23 =	vand.u32 $0x7F, v41;
	v20 =	vld.idx.msk [tilespmem:v20+s3+$0x0], $0xffff  }
0x5b: {  	v22 =	vor.u32 v23, v43;
	_ =	sdelay $0x2  }
0x5c: {  	v45 =	vadd.s32 $0xA, v19  }
0x5d: {  	v46 =	vand.u32 $0xFFFFFF80, v45;
	[tilespmem:v44+s28+$0x0] =	vst.idx.msk $0xffff, v20  }
0x5e: {  	v47 =	vor.u32 v11, v18;
	v23 =	vand.u32 $0x7F, v45;
	v20 =	vadd.s32 v21, v46;
	v22 =	vld.idx.msk [tilespmem:v22+s3+$0x0], $0xffff  }
0x5f: {  	v20 =	vor.u32 v23, v20;
	_ =	sdelay $0x2  }
0x60: {  	v48 =	vadd.s32 $0xB, v19  }
0x61: {  	v49 =	vand.u32 $0xFFFFFF80, v48;
	[tilespmem:v47+s28+$0x0] =	vst.idx.msk $0xffff, v22  }
0x62: {  	v50 =	vadd.s32 v21, v49;
	v51 =	vor.u32 v12, v18;
	v23 =	vand.u32 $0x7F, v48;
	v20 =	vld.idx.msk [tilespmem:v20+s3+$0x0], $0xffff  }
0x63: {  	v22 =	vor.u32 v23, v50;
	_ =	sdelay $0x2  }
0x64: {  	v52 =	vadd.s32 $0xC, v19  }
0x65: {  	v53 =	vand.u32 $0xFFFFFF80, v52;
	[tilespmem:v51+s28+$0x0] =	vst.idx.msk $0xffff, v20  }
0x66: {  	v54 =	vor.u32 v13, v18;
	v23 =	vand.u32 $0x7F, v52;
	v20 =	vadd.s32 v21, v53;
	v22 =	vld.idx.msk [tilespmem:v22+s3+$0x0], $0xffff  }
0x67: {  	v20 =	vor.u32 v23, v20;
	_ =	sdelay $0x2  }
0x68: {  	v55 =	vadd.s32 $0xD, v19  }
0x69: {  	v56 =	vand.u32 $0xFFFFFF80, v55;
	[tilespmem:v54+s28+$0x0] =	vst.idx.msk $0xffff, v22  }
0x6a: {  	v58 =	vor.u32 v14, v18;
	v57 =	vadd.s32 v21, v56;
	v23 =	vand.u32 $0x7F, v55;
	v20 =	vld.idx.msk [tilespmem:v20+s3+$0x0], $0xffff  }
0x6b: {  	v22 =	vor.u32 v23, v57;
	_ =	sdelay $0x2  }
0x6c: {  	v59 =	vadd.s32 $0xE, v19  }
0x6d: {  	v60 =	vand.u32 $0xFFFFFF80, v59;
	[tilespmem:v58+s28+$0x0] =	vst.idx.msk $0xffff, v20  }
0x6e: {  	v61 =	vor.u32 v15, v18;
	v23 =	vand.u32 $0x7F, v59;
	v20 =	vadd.s32 v21, v60;
	v22 =	vld.idx.msk [tilespmem:v22+s3+$0x0], $0xffff  }
0x6f: {  	v20 =	vor.u32 v23, v20;
	_ =	sdelay $0x2  }
0x70: {  	v19 =	vadd.s32 $0xF, v19  }
0x71: {  	v62 =	vand.u32 $0xFFFFFF80, v19;
	[tilespmem:v61+s28+$0x0] =	vst.idx.msk $0xffff, v22  }
0x72: {  	v63 =	vor.u32 v16, v18;
	v19 =	vand.u32 $0x7F, v19;
	v21 =	vadd.s32 v21, v62;
	v20 =	vld.idx.msk [tilespmem:v20+s3+$0x0], $0xffff  }
0x73: {  	v19 =	vor.u32 v19, v21;
	_ =	sdelay $0x1  }
0x74: {  	s0 =	smov.u32 s21  }
0x75: {  	p1 =	por !p1, p0;
	s31 =	sadd.s32 @!p2 $0x1, s21;
	s30 =	simm.s32 $0x0  }
0x76: {  	s21 =	smov.u32 @p1 s31;
	s31 =	sadd.s32 s7, s24;
	s30 =	simm.s32 @p1 $0x1;
	[tilespmem:v63+s28+$0x0] =	vst.idx.msk $0xffff, v20  }
0x77: {  	s21 =	smov.u32 @p0 s0;
	s0 =	simm.s32 $0x10;
	s30 =	simm.s32 @p0 $0x0;
	v18 =	vor.u32 v17, v18;
	v19 =	vld.idx.msk [tilespmem:v19+s3+$0x0], $0xffff  }
.LBB2_3:
0x78: {  	_ =	sdelay $0x3  }
0x79: {  	p1 =	sne.s32 s0, $0x1F0;
	s25 =	sadd.s32 $0x2, s25;
	s26 =	sadd.s32 $0x10, s26;
	[tilespmem:v18+s28+$0x0] =	vst.idx.msk $0xffff, v19  }
0x7a: {  	s2 =	smov.u32 s0;
	s0 =	sadd.s32 $0x10, s0;
	v19 =	vld [tilespmem:s26+$0x0];
	_ =	sdelay $0x2  }
0x7b: {  	v18 =	vmov s2  }
0x7c: {  	v18 =	vshll.u32 v18, $0x7  }
0x7d: {  	v27 =	vor.u32 v1, v18;
	v20 =	vand.u32 $0xFFFFFF80, v19;
	v21 =	vadd.s32 $0x1, v19  }
0x7e: {  	v18 =	vand.u32 $0x7F, v19;
	v20 =	vadd.s32 v27, v20;
	v22 =	vand.u32 $0xFFFFFF80, v21  }
0x7f: {  	v18 =	vor.u32 v18, v20;
	v20 =	vadd.s32 v27, v22;
	v22 =	vadd.s32 $0x2, v19  }
0x80: {  	v28 =	vadd.s32 $0x3, v19;
	v29 =	vadd.s32 $0x4, v19;
	v23 =	vand.u32 $0xFFFFFF80, v22  }
0x81: {  	v25 =	vand.u32 $0xFFFFFF80, v29;
	v24 =	vadd.s32 v27, v23;
	v23 =	vand.u32 $0xFFFFFF80, v28  }
0x82: {  	v26 =	vmov s25;
	v31 =	vadd.s32 v27, v25;
	v30 =	vadd.s32 v27, v23  }
0x83: {  	v32 =	vadd.s32 $0x5, v19;
	v33 =	vadd.s32 $0x6, v19;
	v23 =	vshll.u32 v26, $0x7  }
0x84: {  	v26 =	vand.u32 $0xFFFFFF80, v33;
	v25 =	vld.idx.msk [tilespmem:v18+s3+$0x0], $0xffff;
	v18 =	vor.u32 v2, v23;
	v23 =	vand.u32 $0xFFFFFF80, v32  }
0x85: {  	v21 =	vand.u32 $0x7F, v21;
	v34 =	vor.u32 v0, v18;
	v35 =	vadd.s32 v27, v23  }
0x86: {  	v37 =	vadd.s32 $0x7, v19;
	v20 =	vor.u32 v21, v20;
	v36 =	vadd.s32 v27, v26  }
0x87: {  	v38 =	vadd.s32 $0x8, v19;
	v39 =	vadd.s32 $0x9, v19;
	v21 =	vand.u32 $0xFFFFFF80, v37  }
0x88: {  	v40 =	vadd.s32 v27, v21;
	v21 =	vand.u32 $0xFFFFFF80, v38;
	v23 =	vand.u32 $0xFFFFFF80, v39  }
0x89: {  	v43 =	vadd.s32 $0xA, v19;
	v41 =	vadd.s32 v27, v21;
	v42 =	vadd.s32 v27, v23  }
0x8a: {  	v21 =	vand.u32 $0xFFFFFF80, v43;
	v23 =	vadd.s32 $0xC, v19;
	[tilespmem:v34+s28+$0x0] =	vst.idx.msk $0xffff, v25;
	v34 =	vadd.s32 $0xB, v19  }
0x8b: {  	v45 =	vadd.s32 v27, v21;
	v21 =	vand.u32 $0xFFFFFF80, v23;
	v44 =	vld.idx.msk [tilespmem:v20+s3+$0x0], $0xffff;
	v20 =	vand.u32 $0xFFFFFF80, v34  }
0x8c: {  	v22 =	vand.u32 $0x7F, v22;
	v46 =	vor.u32 v3, v18;
	v47 =	vadd.s32 v27, v20  }
0x8d: {  	v48 =	vor.u32 v22, v24;
	v24 =	vadd.s32 $0xD, v19;
	v26 =	vadd.s32 v27, v21  }
0x8e: {  	v21 =	vadd.s32 $0xE, v19;
	v19 =	vadd.s32 $0xF, v19;
	v20 =	vand.u32 $0xFFFFFF80, v24  }
0x8f: {  	v49 =	vand.u32 $0xFFFFFF80, v19;
	v25 =	vadd.s32 v27, v20;
	v20 =	vand.u32 $0xFFFFFF80, v21  }
0x90: {  	v22 =	vadd.s32 v27, v20;
	v20 =	vadd.s32 v27, v49  }
0x91: {  	[tilespmem:v46+s28+$0x0] =	vst.idx.msk $0xffff, v44  }
0x92: {  	v27 =	vld.idx.msk [tilespmem:v48+s3+$0x0], $0xffff  }
0x93: {  	v28 =	vand.u32 $0x7F, v28;
	v44 =	vor.u32 v4, v18  }
0x94: {  	v28 =	vor.u32 v28, v30;
	_ =	sdelay $0x3  }
0x95: {  	[tilespmem:v44+s28+$0x0] =	vst.idx.msk $0xffff, v27  }
0x96: {  	v27 =	vld.idx.msk [tilespmem:v28+s3+$0x0], $0xffff  }
0x97: {  	v29 =	vand.u32 $0x7F, v29;
	v28 =	vor.u32 v5, v18  }
0x98: {  	v29 =	vor.u32 v29, v31;
	_ =	sdelay $0x3  }
0x99: {  	[tilespmem:v28+s28+$0x0] =	vst.idx.msk $0xffff, v27  }
0x9a: {  	v27 =	vld.idx.msk [tilespmem:v29+s3+$0x0], $0xffff  }
0x9b: {  	v28 =	vor.u32 v6, v18;
	v29 =	vand.u32 $0x7F, v32  }
0x9c: {  	v29 =	vor.u32 v29, v35;
	_ =	sdelay $0x3  }
0x9d: {  	[tilespmem:v28+s28+$0x0] =	vst.idx.msk $0xffff, v27  }
0x9e: {  	v27 =	vld.idx.msk [tilespmem:v29+s3+$0x0], $0xffff  }
0x9f: {  	v28 =	vor.u32 v7, v18;
	v29 =	vand.u32 $0x7F, v33  }
0xa0: {  	v29 =	vor.u32 v29, v36;
	_ =	sdelay $0x3  }
0xa1: {  	[tilespmem:v28+s28+$0x0] =	vst.idx.msk $0xffff, v27  }
0xa2: {  	v27 =	vld.idx.msk [tilespmem:v29+s3+$0x0], $0xffff  }
0xa3: {  	v28 =	vor.u32 v8, v18;
	v29 =	vand.u32 $0x7F, v37  }
0xa4: {  	v29 =	vor.u32 v29, v40;
	_ =	sdelay $0x3  }
0xa5: {  	[tilespmem:v28+s28+$0x0] =	vst.idx.msk $0xffff, v27  }
0xa6: {  	v27 =	vld.idx.msk [tilespmem:v29+s3+$0x0], $0xffff  }
0xa7: {  	v28 =	vor.u32 v9, v18;
	v29 =	vand.u32 $0x7F, v38  }
0xa8: {  	v29 =	vor.u32 v29, v41;
	_ =	sdelay $0x3  }
0xa9: {  	[tilespmem:v28+s28+$0x0] =	vst.idx.msk $0xffff, v27  }
0xaa: {  	v27 =	vld.idx.msk [tilespmem:v29+s3+$0x0], $0xffff  }
0xab: {  	v28 =	vor.u32 v10, v18;
	v29 =	vand.u32 $0x7F, v39  }
0xac: {  	v29 =	vor.u32 v29, v42;
	_ =	sdelay $0x3  }
0xad: {  	[tilespmem:v28+s28+$0x0] =	vst.idx.msk $0xffff, v27  }
0xae: {  	v27 =	vld.idx.msk [tilespmem:v29+s3+$0x0], $0xffff  }
0xaf: {  	v28 =	vor.u32 v11, v18;
	v29 =	vand.u32 $0x7F, v43  }
0xb0: {  	v29 =	vor.u32 v29, v45;
	_ =	sdelay $0x3  }
0xb1: {  	[tilespmem:v28+s28+$0x0] =	vst.idx.msk $0xffff, v27  }
0xb2: {  	v27 =	vld.idx.msk [tilespmem:v29+s3+$0x0], $0xffff  }
0xb3: {  	v28 =	vor.u32 v12, v18;
	v29 =	vand.u32 $0x7F, v34  }
0xb4: {  	v29 =	vor.u32 v29, v47;
	_ =	sdelay $0x3  }
0xb5: {  	[tilespmem:v28+s28+$0x0] =	vst.idx.msk $0xffff, v27  }
0xb6: {  	v27 =	vld.idx.msk [tilespmem:v29+s3+$0x0], $0xffff  }
0xb7: {  	v23 =	vand.u32 $0x7F, v23;
	v28 =	vor.u32 v13, v18  }
0xb8: {  	v23 =	vor.u32 v23, v26;
	_ =	sdelay $0x3  }
0xb9: {  	[tilespmem:v28+s28+$0x0] =	vst.idx.msk $0xffff, v27  }
0xba: {  	v23 =	vld.idx.msk [tilespmem:v23+s3+$0x0], $0xffff  }
0xbb: {  	v26 =	vor.u32 v14, v18;
	v24 =	vand.u32 $0x7F, v24  }
0xbc: {  	v24 =	vor.u32 v24, v25;
	_ =	sdelay $0x3  }
0xbd: {  	[tilespmem:v26+s28+$0x0] =	vst.idx.msk $0xffff, v23  }
0xbe: {  	v23 =	vld.idx.msk [tilespmem:v24+s3+$0x0], $0xffff  }
0xbf: {  	v21 =	vand.u32 $0x7F, v21;
	v24 =	vor.u32 v15, v18  }
0xc0: {  	v21 =	vor.u32 v21, v22;
	_ =	sdelay $0x3  }
0xc1: {  	[tilespmem:v24+s28+$0x0] =	vst.idx.msk $0xffff, v23  }
0xc2: {  	v21 =	vld.idx.msk [tilespmem:v21+s3+$0x0], $0xffff  }
0xc3: {  	v19 =	vand.u32 $0x7F, v19;
	v22 =	vor.u32 v16, v18  }
0xc4: {  	v19 =	vor.u32 v19, v20;
	_ =	sdelay $0x1  }
.Ltmp0:
0xc5: {  	(pc) =	sbr.rel @p1 .LBB2_3-.Ltmp0, $4  }
0xc6: {  	_ = 	snop  }
0xc7: {  	[tilespmem:v22+s28+$0x0] =	vst.idx.msk $0xffff, v21  }
0xc8: {  	v19 =	vld.idx.msk [tilespmem:v19+s3+$0x0], $0xffff  }
0xc9: {  	v18 =	vor.u32 v17, v18  }
0xca: {  	_ =	sdelay $0x1  }
0xcb: {  	p1 =	sne.s32 s24, s23  }
0xcc: {  	p0 =	por p0, p1  }
0xcd: {  	p1 =	seq.s32 s22, $0x0;
	s0 =	sshll.u32 @p0 s31, $0xA;
	[tilespmem:v18+s28+$0x0] =	vst.idx.msk $0xffff, v19  }
0xce: {  	s2 =	sadd.s32 @p0 $0x5, s29;
	s0 =	sand.u32 @p0 $0x1FFFFC00, s0;
	_ =	strace $0x9000004D  }
0xcf: {  	s24 =	simm.s32 @p0 $0x0;
	s0 =	sadd.s32 @p0 s1, s0;
	_ =	strace @p0 $0x8000004E  }
0xd0: {  	[hbm4b:s0+s24] =	stream.linear.scatter @p0 [tilespmem:s28], [sflag:s2], $0x2000, $0x200038;
	[tilespmem:$0x14800] =	vst v63  }
0xd1: {  	s0 =	sand.u32 @!p1 $0x1, s16;
	_ =	strace @p0 $0x9000004E  }
0xd2: {  	s0 =	sadd.s32 @!p1 $0x5, s0;
	_ =	strace @!p1 $0x8000004F  }
0xd3: {  	s2 =	simm.s32 $0x1;
	_ =	swait.ge @!p1 [sflag:s0], $0x2000  }
0xd4: {  	s2 =	simm.s32 @!p0 $0x0;
	p0 =	sne.s32 s22, $0x0;
	[sflag:s0] =	ssyncset.done @!p1 $0x0  }
0xd5: {  	s22 =	sadd.s32 $0x1, s22;
	[sflag:s0] =	ssyncadd.s32 @!p1 $0xFFFFE000;
	s0 =	simm.s32 $0x1  }
0xd6: {  	s0 =	simm.s32 @!p0 $0x0;
	p0 =	sne.s32 s22, $0xC8  }
.Ltmp1:
0xd7: {  	_ = 	snop;
	(pc) =	sbr.rel @p0 .LBB2_2-.Ltmp1, $4  }
0xd8: {  	_ = 	snop  }
0xd9: {  	s19 =	sadd.s32 s19, s30  }
0xda: {  	s24 =	smov.u32 s23;
	s17 =	sadd.s32 s2, s17;
	s20 =	sadd.s32 s2, s20  }
0xdb: {  	s18 =	sadd.s32 s2, s18;
	_ =	strace @!p1 $0x9000004F;
	s16 =	sadd.s32 s0, s16  }
0xdc: {  	s15 =	sadd.s32 $0x1, s15  }
0xdd: {  	s0 =	sand.u32 $0x1, s16;
	p0 =	sne.s32 s15, s10  }
.Ltmp2:
0xde: {  	_ =	strace $0x80000050;
	s0 =	sadd.s32 $0x5, s0;
	(pc) =	sbr.rel @p0 .LBB2_1-.Ltmp2, $4  }
0xdf: {  	_ =	swait.ge [sflag:s0], $0x2000  }
0xe0: {  	[sflag:s0] =	ssyncset.done $0x0  }
0xe1: {  	[sflag:s0] =	ssyncadd.s32 $0xFFFFE000  }
0xe2: {  	_ =	strace $0x90000050  }
0xe3: {  	_ =	sfence.sel $0x180000  }
0xe4: {  	[bflag:$0x0] =	sbarrier.arrive $0xFFFF  }
0xe5: {  	_ =	strace $0x90000047  }
0xe6: {  	s0 =	stileid.u32;
	[bflag:$0x2] =	sbarrier.arrive $0xFFFF  }
0xe7: {  	p0 =	sne.s32 s0, $0x0;
	s0 =	rddreg [dreg:$0x2]  }
0xe8: {  	s0 =	sadd.s32 @!p0 $0x100000, s0  }
0xe9: {  	[sflag:s0] =	ssyncadd.tile.s32 @!p0 $0x1;
	_ =	shalt  }
.Lfunc_end2:
_tile_overlayer_lowered:
.L_overlay_start_2:
0xea: {  	(tag) =	ssettag $0x2  }
0xeb: {  	s0 =	rddreg [dreg:$0x0];
	s2 =	stileid.u32  }
0xec: {  	s1 =	rddreg [dreg:$0x1];
	p0 =	sne.s32 s2, $0x0  }
0xed: {  	s3 =	rddreg [dreg:$0x2];
	[bflag:$0x3] =	sbarrier.arrive $0xFFFF;
	s2 =	simm.s32 @!p0 $0x1C01  }
0xee: {  	[timem:s3], [sflag:s2] =	dma.local @!p0 [hbm:s0], s1  }
0xef: {  	s0 =	simm.s32 @!p0 $0x1  }
0xf0: {  	_ =	swait.ge @!p0 [sflag:s0], s1  }
0xf1: {  	s1 =	ssub.s32 @!p0 $0x0, s1;
	[sflag:s0] =	ssyncset.done @!p0 $0x0  }
0xf2: {  	[sflag:s0] =	ssyncadd.s32 @!p0 s1  }
0xf3: {  	[bflag:$0x3] =	sbarrier.arrive $0xFFFF  }
0xf4: {  	_ =	shalt  }

// kernel: sparse-core-data-format-call.cloned.1.call-start
scs
called_computation_lowered:
.L_overlay_start_0:
0x0: {  	s2 =	sld [smem:$0x3FD9]  }
0x1: {  	s3 =	sld [smem:$0x3FFE];
	_ =	sdelay $0x1  }
0x2: {  	s1 =	srdreg.scid  }
0x3: {  	s0 =	sand.u32 $0x1, s1  }
0x4: {  	s18 =	sshll.u32 s0, $0xA;
	s2 =	sadd.s32 s3, s2  }
0x5: {  	s2 =	sadd.s32 s2, s18  }
0x6: {  	[smem:$0x3FC6] =	sst s2  }
0x7: {  	_ = 	snop  }
0x8: {  	s2 =	sld [smem:$0x3FD0];
	(tm) =	ssettm $0x1  }
0x9: {  	s19 =	sld [smem:$0x3FFB];
	_ =	sdelay $0x3  }
0xa: {  	_ =	strace s19  }
0xb: {  	s3 =	sld [smem:$0x3FFC];
	_ =	sdelay $0x3  }
0xc: {  	_ =	strace s3  }
0xd: {  	s3 =	sld [smem:$0x3FFD];
	_ =	sdelay $0x3  }
0xe: {  	_ =	strace s3  }
0xf: {  	_ =	strace $0x8FFFFFFF  }
0x10: {  	s20 =	sld [smem:$0x3FDB];
	_ =	sdelay $0x1  }
0x11: {  	s4 =	simm.s32 $_scs_section_size  }
0x12: {  	s5 =	simm.s32 $_size__tile_overlayer_lowered;
	s6 =	simm.s32 $_tile_overlayer_lowered  }
0x13: {  	s23 =	simm.s32 $0x1BFF;
	s22 =	sshll.u32 s6, $0x1;
	s3 =	sadd.s32 s4, s20  }
0x14: {  	s7 =	simm.s32 $0x0;
	s21 =	sshll.u32 s5, $0x1;
	s5 =	sadd.s32 s22, s3  }
0x15: {  	[timem:s7], [sflag:s23] =	dma.local [hbm:s5], s21  }
0x16: {  	_ =	swait.ge [sflag:s23], s21  }
0x17: {  	s4 =	ssub.s32 $0x0, s21;
	[sflag:s23] =	ssyncset.done $0x0  }
0x18: {  	[sflag:s23] =	ssyncadd.s32 s4;
	_ =	sdelay $0x1  }
0x19: {  	s24 =	simm.s32 $0x1B8B  }
0x1a: {  	_ =	swait.ge [sflag:s24], $0x1  }
0x1b: {  	[sflag:s24] =	ssyncset.done $0x0  }
0x1c: {  	s26 =	simm.s32 $0x1B8E;
	s25 =	sld [smem:$0x3FFE];
	[sflag:s24] =	ssyncadd.s32 $0xFFFFFFFF  }
0x1d: {  	s27 =	simm.s32 $execute0_lowered;
	[smem:$0x3FD2] =	sst s26  }
0x1e: {  	s5 =	sshll.u32 s27, $0x1;
	_ =	strace $0x80000052;
	[dreg:$0x1] =	wrdreg $0xFFFFFFFF  }
0x1f: {  	s28 =	simm.s32 $_size_execute0_lowered;
	s3 =	sadd.s32 s3, s5;
	[dreg:$0x0] =	wrdreg $0x0  }
0x20: {  	s5 =	sshll.u32 s28, $0x1;
	[dreg:$0x2] =	wrdreg s3  }
0x21: {  	[dreg:$0x3] =	wrdreg s5  }
0x22: {  	[dreg:$0x4] =	wrdreg $0xC0  }
0x23: {  	_ =	task [dreg:s7], $0x5FFFF  }
0x24: {  	[dreg:$0x1] =	wrdreg $0xFFFFFFFF  }
0x25: {  	[dreg:$0x0] =	wrdreg $0x60  }
0x26: {  	[dreg:$0x2] =	wrdreg s25  }
0x27: {  	[dreg:$0x3] =	wrdreg s2  }
0x28: {  	[dreg:$0x4] =	wrdreg $0x9  }
0x29: {  	_ =	task.clear_ibuf [dreg:s7], $0x5FFFF;
	_ =	strace $0x90000052  }
0x2a: {  	s29 =	simm.s32 $0x9;
	_ =	strace $0x80000054  }
0x2b: {  	_ =	swait.ge [sflag:s29], $0x1  }
0x2c: {  	[sflag:s29] =	ssyncadd.s32 $0xFFFFFFFF  }
0x2d: {  	_ =	strace $0x90000054  }
0x2e: {  	_ =	sfence  }
0x2f: {  	s30 =	sld [smem:$0x0];
	_ =	sdelay $0x2  }
0x30: {  	s31 =	sshll.u32 s1, $0xD;
	s1 =	sshrl.u32 s1, $0x2  }
0x31: {  	s3 =	sand.u32 $0x4000, s31;
	s1 =	sadd.s32 s1, s30  }
0x32: {  	s0 =	sor.u32 s3, s0;
	s1 =	sshll.u32 s1, $0x11  }
0x33: {  	s0 =	sor.u32 s1, s0  }
0x34: {  	s0 =	sadd.s32 $0x8F2B, s0  }
0x35: {  	[sflag:s0] =	ssyncadd.remote.s32 $0x1  }
0x36: {  	_ =	sfence.sel $0xFFFF  }
0x37: {  	[dreg:$0x0] =	wrdreg $0xFFFFFFFF;
	(pc) =	sbr.abs _section_cstart, $3  }
0x38: {  	[dreg:$0x1] =	wrdreg $0xFFFFFFFF  }
0x39: {  	_ =	task.clear_ibuf [dreg:s7], $0x2FFFF;
	_ =	strace $0x9FFFFFFF  }
0x3a: {  	(tm) =	ssettm $0x7FFFFFFF  }
0x3b: {  	_ =	shalt  }
tec
execute0_lowered:
.L_overlay_start_1:
0x0: {  	(tag) =	ssettag $0x1  }
0x1: {  	s0 =	srdreg.scid  }
0x2: {  	s1 =	sshll.u32 s0, $0x4  }
0x3: {  	s0 =	stileid.u32;
	s1 =	sand.u32 $0x10, s1  }
0x4: {  	s1 =	sor.u32 s0, s1  }
0x5: {  	s6 =	rddreg [dreg:$0x0];
	s4 =	simm.s32 $0x1;
	s2 =	sshll.u32 s1, $0x7  }
0x6: {  	s7 =	simm.s32 $0x2;
	s12 =	simm.s32 $0x0;
	s1 =	ssub.s32 $0x4000, s2  }
0x7: {  	s8 =	simm.s32 $0x20000;
	s13 =	simm.s32 $0x0;
	s3 =	sand.u32 $0xF80, s1  }
0x8: {  	s9 =	simm.s32 $0x0;
	s5 =	sshrl.u32 s1, $0xC;
	p0 =	sne.s32 s3, $0x0  }
.Ltmp0:
0x9: {  	s1 =	rddreg [dreg:$0x2];
	s4 =	simm.s32 @!p0 $0x0;
	(pc) =	sbr.rel .LBB1_1-.Ltmp0, $4  }
0xa: {  	s11 =	simm.s32 $0x0;
	s3 =	rddreg [dreg:$0x1];
	s5 =	sadd.s32 s4, s5  }
0xb: {  	_ =	strace $0x80000053;
	s4 =	simm.s32 $0x1;
	s5 =	smul.u32 $0xC8, s5  }
0xc: {  	s6 =	sadd.s32 $0xA00, s6;
	s10 =	smov.u32 s2;
	[sflag:s4] =	ssyncpa.u1 $0x0  }
0xd: {  	p0 =	por $0x0, $0x0;
	[sflag:s7] =	ssyncpa.u1 $0x0;
	s7 =	sor.u32 $0x1, s5  }
.LBB1_4:
0xe: {  	s16 =	sshll.u32 s13, $0x3;
	s17 =	sand.u32 $0x78, s13  }
0xf: {  	s30 =	sand.u32 $0x7800, s13;
	s12 =	sshll.u32 s12, $0xF;
	s16 =	sand.u32 $0x3C00, s16  }
0x10: {  	s31 =	sand.u32 $0x7, s13;
	s16 =	sor.u32 s17, s16;
	s17 =	sadd.s32 s3, s30  }
0x11: {  	s13 =	sshll.u32 s31, $0x12;
	s16 =	sshrl.u32 s16, $0x3;
	s12 =	sadd.s32 s12, s17  }
0x12: {  	[tilespmem:s15+$0x0 ss:$0x81] =	vst.msk $0xffff, v1;
	s13 =	sor.u32 $0x400, s13;
	s12 =	sadd.s32 s16, s12  }
0x13: {  	[hbm4b:s12+s13] =	stream.strided.scatter [tilespmem:s14], [sflag:$0x2], $0x800, s8, s13, $0x20;
	[tilespmem:$0x2020] =	vst v63  }
.LBB1_5:
0x14: {  	s14 =	sadd.s32 $0x1, s9  }
0x15: {  	s12 =	sadd.s32 $0x1000, s10;
	s16 =	smov.u32 s10;
	p2 =	sgt.s32 s14, $0xC7  }
0x16: {  	s16 =	smov.u32 @p2 s12  }
0x17: {  	s14 =	simm.s32 @p2 $0x0;
	p2 =	sgt.s32 s16, $0x3FFF  }
0x18: {  	s16 =	smov.u32 @p2 s2;
	p2 =	sne.s32 s11, s7  }
.Ltmp1:
0x19: {  	p1 =	slt.u32 s11, $0x2;
	(pc) =	sbr.rel @!p2 .LBB1_6-.Ltmp1, $4  }
0x1a: {  	s15 =	simm.s32 @!p1 $0x2  }
0x1b: {  	s13 =	smov.u32 s10;
	p0 =	por !p0, !p0;
	_ =	swait.ge @!p1 [sflag:s15], $0x800  }
0x1c: {  	s12 =	smov.u32 s9;
	[sflag:s15] =	ssyncset.done @!p1 $0x0;
	s9 =	smov.u32 s14  }
0x1d: {  	s11 =	sadd.s32 $0x1, s11;
	[sflag:s15] =	ssyncadd.s32 @!p1 $0xFFFFF800;
	s10 =	smov.u32 s16  }
.LBB1_1:
0x1e: {  	p1 =	sge.u32 s11, s5  }
0x1f: {  	s14 =	sand.u32 @!p1 $0x1FFFFFF, s9  }
0x20: {  	s15 =	smulhi.u32 @!p1 $0x147AE15, s14;
	_ =	sdelay $0x1  }
0x21: {  	s15 =	smul.u32 @!p1 $0xC8, s15  }
0x22: {  	s16 =	sxor.u32 @!p1 $0xFFFFFFFF, s11;
	s17 =	smul.u32 @!p1 $0xC80, s10  }
0x23: {  	s31 =	sadd.s32 $0xFFFFFFFF, s11;
	s16 =	sshll.u32 @!p1 s16, $0xB;
	s14 =	ssub.s32 @!p1 s14, s15  }
0x24: {  	s15 =	sand.u32 @!p1 $0x800, s16;
	s16 =	sadd.s32 @!p1 s6, s17;
	s14 =	sshll.u32 @!p1 s14, $0x4  }
0x25: {  	s17 =	simm.s32 @!p1 $0x6400;
	s14 =	sadd.s32 @!p1 s14, s16;
	s16 =	simm.s32 @!p1 $0x10  }
0x26: {  	[tilespmem:s15], [sflag:$0x1] =	stream.strided.gather @!p1 [hbm4b:s14+s16], $0x800, s17, s16, $0x38;
	[tilespmem:$0x2020] =	vst v63  }
0x27: {  	p1 =	sge.u32 s31, s5  }
.Ltmp2:
0x28: {  	_ = 	snop;
	(pc) =	sbr.rel @p1 .LBB1_5-.Ltmp2, $1  }
0x29: {  	_ =	sdelay $0x3  }
0x2a: {  	s14 =	simm.s32 $0x1  }
0x2b: {  	s14 =	simm.s32 @!p0 $0x0  }
0x2c: {  	s15 =	sshll.u32 s14, $0xB  }
0x2d: {  	v0 =	vmov s15;
	_ =	sdelay $0x1  }
0x2e: {  	_ =	swait.ge [sflag:s4], $0x800  }
0x2f: {  	s31 =	sand.u32 $0x1, s11;
	[sflag:s4] =	ssyncset.done $0x0  }
0x30: {  	s17 =	simm.s32 $0x0;
	s14 =	smul.u32 $0x2040, s14;
	[sflag:s4] =	ssyncadd.s32 $0xFFFFF800  }
0x31: {  	s15 =	smul.u32 $0x2040, s31;
	v1 =	vld.idx.msk [tilespmem:v0+s17+$0x0 ss:$0x1], $0xffff;
	_ =	sdelay $0x1  }
0x32: {  	s14 =	sshrl.u32 s14, $0x2;
	s16 =	sshrl.u32 s15, $0x2  }
0x33: {  	s15 =	sor.u32 $0x1000, s14;
	s14 =	sor.u32 $0x1000, s16;
	s16 =	simm.s32 $0x40  }
.LBB1_3:
0x34: {  	s17 =	sshra.s32 s16, $0x2;
	p1 =	sne.s32 s16, $0x1FC0;
	s16 =	sadd.s32 $0x40, s16  }
.Ltmp3:
0x35: {  	[tilespmem:s15+$0x0 ss:$0x81] =	vst.msk $0xffff, v1;
	v1 =	vld.idx.msk [tilespmem:v0+s17+$0x0 ss:$0x1], $0xffff;
	(pc) =	sbr.rel @p1 .LBB1_3-.Ltmp3, $2  }
0x36: {  	_ =	sdelay $0x2  }
0x37: {  	s15 =	sadd.s32 $0x1, s15  }
.Ltmp4:
0x38: {  	_ = 	snop;
	(pc) =	sbr.rel .LBB1_4-.Ltmp4, $1  }
0x39: {  	_ =	sdelay $0x3  }
.LBB1_6:
0x3a: {  	_ =	sfence.sel $0x180000  }
0x3b: {  	s2 =	simm.s32 $0x1;
	[bflag:$0x0] =	sbarrier.arrive $0xFFFF  }
0x3c: {  	s31 =	simm.s32 $0x2;
	[sflag:s2] =	ssyncpa.u1 $0x1  }
0x3d: {  	[sflag:s31] =	ssyncpa.u1 $0x1  }
0x3e: {  	p0 =	sne.s32 s0, $0x0;
	_ =	strace $0x90000053  }
0x3f: {  	s0 =	sadd.s32 @!p0 $0x100000, s1;
	[bflag:$0x2] =	sbarrier.arrive $0xFFFF  }
0x40: {  	[sflag:s0] =	ssyncadd.tile.s32 @!p0 $0x1;
	_ =	shalt  }
.Lfunc_end1:
_tile_overlayer_lowered:
.L_overlay_start_2:
0x41: {  	(tag) =	ssettag $0x2  }
0x42: {  	s0 =	rddreg [dreg:$0x0];
	s2 =	stileid.u32  }
0x43: {  	s1 =	rddreg [dreg:$0x1];
	p0 =	sne.s32 s2, $0x0  }
0x44: {  	s3 =	rddreg [dreg:$0x2];
	[bflag:$0x3] =	sbarrier.arrive $0xFFFF;
	s2 =	simm.s32 @!p0 $0x1C01  }
0x45: {  	[timem:s3], [sflag:s2] =	dma.local @!p0 [hbm:s0], s1  }
0x46: {  	s0 =	simm.s32 @!p0 $0x1  }
0x47: {  	_ =	swait.ge @!p0 [sflag:s0], s1  }
0x48: {  	s1 =	ssub.s32 @!p0 $0x0, s1;
	[sflag:s0] =	ssyncset.done @!p0 $0x0  }
0x49: {  	[sflag:s0] =	ssyncadd.s32 @!p0 s1  }
0x4a: {  	[bflag:$0x3] =	sbarrier.arrive $0xFFFF  }
0x4b: {  	_ =	shalt  }

</sc_bundles>
